<compile_context>
chip_gen: v7x
topology: tpu7x:2x2x1
jax: 0.10.2.dev20260603
libtpu: 0.0.44.dev20260713+nightly
codegen_flags: <defaults>
</compile_context>

<pallas_src>
import functools

import jax
import jax.numpy as jnp
from jax import lax
from jax.experimental import pallas as pl
from jax.experimental.pallas import tpu as pltpu
from jax.experimental.pallas import tpu_sc as plsc

B, S, H, E, TOP_K = 4, 8192, 2048, 64, 8

NC, NS, L = 2, 16, 16
NW = NC * NS
TPB = NW // B

S_SC = 512
R = S_SC // TPB
RC = 16
NCHUNK = R // RC

A = S - S_SC
CHUNK = 512
J = A // CHUNK


def _acc_chunk(buf_ref, acc_ref):
    @plsc.parallel_loop(0, H // L, 1, unroll=4)
    def _(v):
        sl = pl.ds(v * L, L)
        vals = [buf_ref[r, sl] for r in range(RC)]
        while len(vals) > 1:
            nxt = [vals[i] + vals[i + 1] for i in range(0, len(vals) - 1, 2)]
            if len(vals) % 2:
                nxt.append(vals[-1])
            vals = nxt
        acc_ref[sl] = acc_ref[sl] + vals[0]


def _sc_body(x_hbm, out_hbm, buf0, buf1, acc, sem0, sem1):
    wid = lax.axis_index("s") * NC + lax.axis_index("c")
    b = wid // TPB
    k = wid % TPB
    row0 = (S - S_SC) + k * R

    def zbody(v, _):
        acc[pl.ds(v * L, L)] = jnp.zeros((L,), jnp.float32)
        return 0
    lax.fori_loop(0, H // L, zbody, 0)

    def copy_in(c, buf, sem):
        return pltpu.make_async_copy(
            x_hbm.at[b, pl.ds(row0 + c * RC, RC), :], buf, sem)

    copy_in(0, buf0, sem0).start()

    def cbody(i, _):
        c0 = 2 * i
        copy_in(c0, buf0, sem0).wait()
        copy_in(c0 + 1, buf1, sem1).start()
        _acc_chunk(buf0, acc)
        copy_in(c0 + 1, buf1, sem1).wait()

        @pl.when(i < NCHUNK // 2 - 1)
        def _():
            copy_in(c0 + 2, buf0, sem0).start()
        _acc_chunk(buf1, acc)
        return 0
    lax.fori_loop(0, NCHUNK // 2, cbody, 0)

    pltpu.sync_copy(acc, out_hbm.at[k * B + b])


_sc_sum = functools.partial(
    pl.kernel,
    out_type=jax.ShapeDtypeStruct((NW, H), jnp.float32),
    mesh=plsc.VectorSubcoreMesh(core_axis_name="c", subcore_axis_name="s"),
    scratch_types=[
        pltpu.VMEM((RC, H), jnp.float32),
        pltpu.VMEM((RC, H), jnp.float32),
        pltpu.VMEM((H,), jnp.float32),
        pltpu.SemaphoreType.DMA,
        pltpu.SemaphoreType.DMA,
    ],
)(_sc_body)


def _tc_body(x_ref, out_ref):
    j = pl.program_id(1)

    @pl.when(j == 0)
    def _():
        out_ref[...] = jnp.zeros_like(out_ref)

    out_ref[0] += jnp.sum(x_ref[0], axis=0, keepdims=True)


def _tc_partial(hidden_states):
    return pl.pallas_call(
        _tc_body,
        grid=(B, J),
        in_specs=[pl.BlockSpec((1, CHUNK, H), lambda b, j: (b, j, 0))],
        out_specs=pl.BlockSpec((1, 1, H), lambda b, j: (b, 0, 0)),
        out_shape=jax.ShapeDtypeStruct((B, 1, H), jnp.float32),
        compiler_params=pltpu.CompilerParams(
            dimension_semantics=("arbitrary", "arbitrary"),
        ),
    )(hidden_states)


def _join_body(tc_ref, sc_ref, fc1w_ref, fc1b_ref, fc2w_ref, fc2b_ref,
               idx_ref, w_ref):
    total = tc_ref[...]
    for k in range(TPB):
        total = total + sc_ref[pl.ds(k * B, B), :]
    seq = total * (1.0 / S)
    x = jnp.dot(seq, fc1w_ref[...],
                preferred_element_type=jnp.float32) + fc1b_ref[...]
    x = 0.5 * x * (1.0 + lax.erf(x * 0.7071067811865476))
    logits = jnp.dot(x, fc2w_ref[...],
                     preferred_element_type=jnp.float32) + fc2b_ref[...]
    m = jnp.max(logits, axis=1, keepdims=True)
    e = jnp.exp(logits - m)
    probs = e / jnp.sum(e, axis=1, keepdims=True)

    iota = lax.broadcasted_iota(jnp.int32, (B, E), 1)
    neg = jnp.float32(-jnp.inf)
    p = probs
    vals, idxs = [], []
    for _ in range(TOP_K):
        mv = jnp.max(p, axis=1, keepdims=True)
        first = jnp.min(jnp.where(p >= mv, iota, E), axis=1, keepdims=True)
        vals.append(mv)
        idxs.append(first)
        p = jnp.where(iota == first, neg, p)
    topv = jnp.concatenate(vals, axis=1)
    topi = jnp.concatenate(idxs, axis=1)
    ew = jnp.exp(topv - topv[:, :1])
    w = ew / jnp.sum(ew, axis=1, keepdims=True)
    idx_ref[...] = topi
    w_ref[...] = w


def _join(tc_part, sc_part, fc1_w, fc1_b, fc2_w, fc2_b):
    return pl.pallas_call(
        _join_body,
        out_shape=[
            jax.ShapeDtypeStruct((B, TOP_K), jnp.int32),
            jax.ShapeDtypeStruct((B, TOP_K), jnp.float32),
        ],
    )(tc_part, sc_part, fc1_w, fc1_b.reshape(1, H), fc2_w,
      fc2_b.reshape(1, E))


def kernel(hidden_states, fc1_w, fc1_b, fc2_w, fc2_b):
    tc_part = _tc_partial(hidden_states).reshape(B, H)
    sc_part = _sc_sum(hidden_states)
    topk_idx, topk_weight = _join(tc_part, sc_part, fc1_w, fc1_b,
                                  fc2_w, fc2_b)
    return (topk_idx, topk_weight, jnp.float32(0.0))

# --- scband reference (transcript-rebuilt; emitter-appended) ---
"""Pipeline reference for scband-mo-egate-53678501266180 (READ-ONLY COPY).

The authoritative reference and input builder live on the scoring server;
editing this copy changes nothing except your own understanding.
"""

import jax, jax.numpy as jnp
import numpy as np

B, S, H = 4, 8192, 2048
E = 64
TOP_K = 8

def setup_inputs(seed: int = 0) -> dict:
    key = jax.random.key(seed)
    k1, k2, k3, k4, k5 = jax.random.split(key, 5)
    hidden_states = jax.random.normal(k1, (B, S, H), dtype=jnp.float32)
    # Mlp router: fc1 (H -> H), GELU, fc2 (H -> E). Weights stored as [in, out].
    fc1_w = jax.random.normal(k2, (H, H), dtype=jnp.float32) * (1.0 / np.sqrt(H))
    fc1_b = jnp.zeros((H,), dtype=jnp.float32)
    fc2_w = jax.random.normal(k3, (H, E), dtype=jnp.float32) * (1.0 / np.sqrt(H))
    fc2_b = jnp.zeros((E,), dtype=jnp.float32)
    return {"hidden_states": hidden_states, "fc1_w": fc1_w, "fc1_b": fc1_b, "fc2_w": fc2_w, "fc2_b": fc2_b}

def reference(hidden_states, fc1_w, fc1_b, fc2_w, fc2_b):
    # Eval-mode forward of MoEGate (no gaussian noise, aux_loss = 0.0)
    seq_repr = jnp.mean(hidden_states, axis=1)                     # [B, H]
    x = seq_repr @ fc1_w + fc1_b                                   # fc1
    x = jax.nn.gelu(x, approximate=False)                          # nn.GELU (exact erf)
    gating_logits = x @ fc2_w + fc2_b                              # [B, E]
    gating_probs = jax.nn.softmax(gating_logits, axis=-1)
    topk_weight, topk_idx = jax.lax.top_k(gating_probs, TOP_K)     # [B, top_k]
    topk_weight = jax.nn.softmax(topk_weight, axis=-1)
    aux_loss = jnp.float32(0.0)
    return (topk_idx, topk_weight, aux_loss)

if __name__ == "__main__":
    import jax
    _d = setup_inputs()
    print(jax.jit(kernel)(*tuple(_d.values())))

</pallas_src>

<mosaic_0001>
#map = affine_map<(d0, d1) -> (0, 0, 0)>
#map1 = affine_map<(d0, d1) -> (0, 0)>
module attributes {stable_mosaic.version = 14 : i64} {
  func.func @_sc_body(%arg0: i32, %arg1: i32, %arg2: memref<4x8192x2048xf32, #tpu.memory_space<hbm>>, %arg3: memref<32x2048xf32, #tpu.memory_space<hbm>>, %arg4: memref<16x2048xf32, #tpu.memory_space<vmem>>, %arg5: memref<16x2048xf32, #tpu.memory_space<vmem>>, %arg6: memref<2048xf32, #tpu.memory_space<vmem>>, %arg7: memref<!tpu.dma_semaphore, #tpu.memory_space<semaphore_mem>>, %arg8: memref<!tpu.dma_semaphore, #tpu.memory_space<semaphore_mem>>) attributes {dimension_semantics = [#tpu.dimension_semantics<core_parallel>, #tpu.dimension_semantics<subcore_parallel>], iteration_bounds = array<i64: 2, 16>, scalar_prefetch = 0 : i64, scratch_operands = 5 : i64, tpu.core_type = #tpu.core_type<sc_vector_subcore>, window_params = [{transform_indices = #map}, {transform_indices = #map1}]} {
    %mul3A = arith.constant 2 : i32
    %mul3A_0 = arith.muli %arg1, %mul3A : i32
    %add3A = arith.addi %mul3A_0, %arg0 : i32
    %jit3A = arith.constant 8 : i32
    %div3A = arith.divsi %add3A, %jit3A : i32
    %sign3A = arith.constant 0 : i32
    %sign3A_1 = arith.cmpi sgt, %add3A, %sign3A : i32
    %sign3A_2 = arith.extui %sign3A_1 : i1 to i32
    %sign3A_3 = arith.constant 0 : i32
    %sign3A_4 = arith.cmpi slt, %add3A, %sign3A_3 : i32
    %sign3A_5 = arith.extui %sign3A_4 : i1 to i32
    %sign3A_6 = arith.subi %sign3A_2, %sign3A_5 : i32
    %sign3A_7 = arith.constant 0 : i32
    %sign3A_8 = arith.cmpi sgt, %jit3A, %sign3A_7 : i32
    %sign3A_9 = arith.extui %sign3A_8 : i1 to i32
    %sign3A_10 = arith.constant 0 : i32
    %sign3A_11 = arith.cmpi slt, %jit3A, %sign3A_10 : i32
    %sign3A_12 = arith.extui %sign3A_11 : i1 to i32
    %sign3A_13 = arith.subi %sign3A_9, %sign3A_12 : i32
    %ne3A = arith.cmpi ne, %sign3A_6, %sign3A_13 : i32
    %rem3A = arith.remsi %add3A, %jit3A : i32
    %ne3A_14 = arith.constant 0 : i32
    %ne3A_15 = arith.cmpi ne, %rem3A, %ne3A_14 : i32
    %and3A = arith.andi %ne3A, %ne3A_15 : i1
    %sub3A = arith.constant 1 : i32
    %sub3A_16 = arith.subi %div3A, %sub3A : i32
    %select_n3A = arith.select %and3A, %sub3A_16, %div3A : i32
    %jit3A_17 = arith.constant 8 : i32
    %eq3A = arith.constant 0 : i32
    %eq3A_18 = arith.cmpi eq, %jit3A_17, %eq3A : i32
    %jit3A_19 = arith.constant 1 : i32
    %select_n3A_20 = arith.select %eq3A_18, %jit3A_19, %jit3A_17 : i32
    %rem3A_21 = arith.remsi %add3A, %select_n3A_20 : i32
    %ne3A_22 = arith.constant 0 : i32
    %ne3A_23 = arith.cmpi ne, %rem3A_21, %ne3A_22 : i32
    %lt3A = arith.constant 0 : i32
    %lt3A_24 = arith.cmpi slt, %rem3A_21, %lt3A : i32
    %lt3A_25 = arith.constant 0 : i32
    %lt3A_26 = arith.cmpi slt, %select_n3A_20, %lt3A_25 : i32
    %ne3A_27 = arith.xori %lt3A_24, %lt3A_26 : i1
    %and3A_28 = arith.andi %ne3A_27, %ne3A_23 : i1
    %add3A_29 = arith.addi %rem3A_21, %select_n3A_20 : i32
    %select_n3A_30 = arith.select %and3A_28, %add3A_29, %rem3A_21 : i32
    %mul3A_31 = arith.constant 64 : i32
    %mul3A_32 = arith.muli %select_n3A_30, %mul3A_31 : i32
    %add3A_33 = arith.constant 7680 : i32
    %add3A_34 = arith.addi %add3A_33, %mul3A_32 : i32
    %scan3A = arith.constant 0 : i32
    %scan3A_35 = arith.constant 0 : i32
    %scan3A_36 = arith.constant 128 : i32
    %scan3A_37 = arith.addi %scan3A_35, %scan3A_36 : i32
    %scan3A_38 = arith.constant 1 : i32
    %scan3A_39 = scf.for %scan3A_58 = %scan3A_35 to %scan3A_37 step %scan3A_38 iter_args(%scan3A_59 = %scan3A) -> (i32)  : i32 {
      %broadcast_in_dim3A = arith.constant 0.000000e+00 : f32
      %broadcast_in_dim3A_60 = vector.broadcast %broadcast_in_dim3A : f32 to vector<16xf32>
      %mul3A_61 = arith.constant 16 : i32
      %mul3A_62 = arith.muli %scan3A_58, %mul3A_61 : i32
      %swap3A = arith.index_cast %mul3A_62 : i32 to index
      %swap3A_63 = tpu.vector_load %arg6[%swap3A] {strides = array<i32>} : memref<2048xf32, #tpu.memory_space<vmem>>, vector<16xf32>,
      %swap3A_64 = vector.shape_cast %swap3A_63 : vector<16xf32> to vector<16xf32>
      %swap3A_65 = vector.shape_cast %broadcast_in_dim3A_60 : vector<16xf32> to vector<16xf32>
      tpu.vector_store %arg6[%swap3A], %swap3A_65 {strides = array<i32>} : memref<2048xf32, #tpu.memory_space<vmem>>, vector<16xf32>,
      %scan3A_66 = arith.constant 0 : i32
      scf.yield %scan3A_66 : i32
    }
    %scan3A_40 = arith.constant 128 : i32
    %add3A_41 = arith.constant 0 : i32
    %add3A_42 = arith.addi %add3A_34, %add3A_41 : i32
    %dma_start3A = arith.constant 0 : i32
    %dma_start3A_43 = tpu.memref_slice %arg2[%select_n3A, %add3A_42, %dma_start3A] : memref<4x8192x2048xf32, #tpu.memory_space<hbm>> -> memref<1x16x2048xf32, #tpu.memory_space<hbm>>
    %dma_start3A_44 = tpu.memref_squeeze %dma_start3A_43 : memref<1x16x2048xf32, #tpu.memory_space<hbm>> -> memref<16x2048xf32, #tpu.memory_space<hbm>>
    %dma_start3A_45 = arith.constant 0 : i32
    %dma_start3A_46 = tpu.memref_slice %arg2[%select_n3A, %add3A_42, %dma_start3A_45] : memref<4x8192x2048xf32, #tpu.memory_space<hbm>> -> memref<1x16x2048xf32, #tpu.memory_space<hbm>>
    %dma_start3A_47 = tpu.memref_squeeze %dma_start3A_46 : memref<1x16x2048xf32, #tpu.memory_space<hbm>> -> memref<16x2048xf32, #tpu.memory_space<hbm>>
    tpu.enqueue_dma source(%dma_start3A_47 : memref<16x2048xf32, #tpu.memory_space<hbm>>) target(%arg4 : memref<16x2048xf32, #tpu.memory_space<vmem>>) target_semaphore(%arg7 : memref<!tpu.dma_semaphore, #tpu.memory_space<semaphore_mem>>)
    %scan3A_48 = arith.constant 0 : i32
    %scan3A_49 = arith.constant 0 : i32
    %scan3A_50 = arith.constant 2 : i32
    %scan3A_51 = arith.addi %scan3A_49, %scan3A_50 : i32
    %scan3A_52 = arith.constant 1 : i32
    %scan3A_53 = scf.for %scan3A_58 = %scan3A_49 to %scan3A_51 step %scan3A_52 iter_args(%scan3A_59 = %scan3A_48) -> (i32)  : i32 {
      %mul3A_60 = arith.constant 2 : i32
      %mul3A_61 = arith.muli %mul3A_60, %scan3A_58 : i32
      %mul3A_62 = arith.constant 16 : i32
      %mul3A_63 = arith.muli %mul3A_61, %mul3A_62 : i32
      %add3A_64 = arith.addi %add3A_34, %mul3A_63 : i32
      %dma_wait3A = arith.constant 0 : i32
      %dma_wait3A_65 = tpu.memref_slice %arg2[%select_n3A, %add3A_64, %dma_wait3A] : memref<4x8192x2048xf32, #tpu.memory_space<hbm>> -> memref<1x16x2048xf32, #tpu.memory_space<hbm>>
      %dma_wait3A_66 = tpu.memref_squeeze %dma_wait3A_65 : memref<1x16x2048xf32, #tpu.memory_space<hbm>> -> memref<16x2048xf32, #tpu.memory_space<hbm>>
      %dma_wait3A_67 = arith.constant 0 : i32
      %dma_wait3A_68 = tpu.memref_slice %arg2[%select_n3A, %add3A_64, %dma_wait3A_67] : memref<4x8192x2048xf32, #tpu.memory_space<hbm>> -> memref<1x16x2048xf32, #tpu.memory_space<hbm>>
      %dma_wait3A_69 = tpu.memref_squeeze %dma_wait3A_68 : memref<1x16x2048xf32, #tpu.memory_space<hbm>> -> memref<16x2048xf32, #tpu.memory_space<hbm>>
      tpu.wait_dma2 semaphore(%arg7 : memref<!tpu.dma_semaphore, #tpu.memory_space<semaphore_mem>>) src(%dma_wait3A_69 : memref<16x2048xf32, #tpu.memory_space<hbm>>) dst(%arg4 : memref<16x2048xf32, #tpu.memory_space<vmem>>)
      %add3A_70 = arith.constant 1 : i32
      %add3A_71 = arith.addi %mul3A_61, %add3A_70 : i32
      %mul3A_72 = arith.constant 16 : i32
      %mul3A_73 = arith.muli %add3A_71, %mul3A_72 : i32
      %add3A_74 = arith.addi %add3A_34, %mul3A_73 : i32
      %dma_start3A_75 = arith.constant 0 : i32
      %dma_start3A_76 = tpu.memref_slice %arg2[%select_n3A, %add3A_74, %dma_start3A_75] : memref<4x8192x2048xf32, #tpu.memory_space<hbm>> -> memref<1x16x2048xf32, #tpu.memory_space<hbm>>
      %dma_start3A_77 = tpu.memref_squeeze %dma_start3A_76 : memref<1x16x2048xf32, #tpu.memory_space<hbm>> -> memref<16x2048xf32, #tpu.memory_space<hbm>>
      %dma_start3A_78 = arith.constant 0 : i32
      %dma_start3A_79 = tpu.memref_slice %arg2[%select_n3A, %add3A_74, %dma_start3A_78] : memref<4x8192x2048xf32, #tpu.memory_space<hbm>> -> memref<1x16x2048xf32, #tpu.memory_space<hbm>>
      %dma_start3A_80 = tpu.memref_squeeze %dma_start3A_79 : memref<1x16x2048xf32, #tpu.memory_space<hbm>> -> memref<16x2048xf32, #tpu.memory_space<hbm>>
      tpu.enqueue_dma source(%dma_start3A_80 : memref<16x2048xf32, #tpu.memory_space<hbm>>) target(%arg5 : memref<16x2048xf32, #tpu.memory_space<vmem>>) target_semaphore(%arg8 : memref<!tpu.dma_semaphore, #tpu.memory_space<semaphore_mem>>)
      %parallel_loop3A = arith.constant 0 : i32
      %parallel_loop3A_81 = arith.constant 128 : i32
      %parallel_loop3A_82 = arith.constant 1 : i32
      scf.for %parallel_loop3A_101 = %parallel_loop3A to %parallel_loop3A_81 step %parallel_loop3A_82  : i32 {
        %parallel_loop3A_102 = arith.constant 16 : i32
        %parallel_loop3A_103 = arith.muli %parallel_loop3A_101, %parallel_loop3A_102 : i32
        %parallel_loop3A_104 = arith.constant 0 : i32
        %parallel_loop3A_105 = arith.index_cast %parallel_loop3A_104 : i32 to index
        %parallel_loop3A_106 = arith.index_cast %parallel_loop3A_103 : i32 to index
        %parallel_loop3A_107 = tpu.vector_load %arg4[%parallel_loop3A_105, %parallel_loop3A_106] {strides = array<i32>} : memref<16x2048xf32, #tpu.memory_space<vmem>>, vector<1x16xf32>,
        %parallel_loop3A_108 = vector.shape_cast %parallel_loop3A_107 : vector<1x16xf32> to vector<16xf32>
        %parallel_loop3A_109 = arith.constant 1 : i32
        %parallel_loop3A_110 = arith.index_cast %parallel_loop3A_109 : i32 to index
        %parallel_loop3A_111 = arith.index_cast %parallel_loop3A_103 : i32 to index
        %parallel_loop3A_112 = tpu.vector_load %arg4[%parallel_loop3A_110, %parallel_loop3A_111] {strides = array<i32>} : memref<16x2048xf32, #tpu.memory_space<vmem>>, vector<1x16xf32>,
        %parallel_loop3A_113 = vector.shape_cast %parallel_loop3A_112 : vector<1x16xf32> to vector<16xf32>
        %parallel_loop3A_114 = arith.constant 2 : i32
        %parallel_loop3A_115 = arith.index_cast %parallel_loop3A_114 : i32 to index
        %parallel_loop3A_116 = arith.index_cast %parallel_loop3A_103 : i32 to index
        %parallel_loop3A_117 = tpu.vector_load %arg4[%parallel_loop3A_115, %parallel_loop3A_116] {strides = array<i32>} : memref<16x2048xf32, #tpu.memory_space<vmem>>, vector<1x16xf32>,
        %parallel_loop3A_118 = vector.shape_cast %parallel_loop3A_117 : vector<1x16xf32> to vector<16xf32>
        %parallel_loop3A_119 = arith.constant 3 : i32
        %parallel_loop3A_120 = arith.index_cast %parallel_loop3A_119 : i32 to index
        %parallel_loop3A_121 = arith.index_cast %parallel_loop3A_103 : i32 to index
        %parallel_loop3A_122 = tpu.vector_load %arg4[%parallel_loop3A_120, %parallel_loop3A_121] {strides = array<i32>} : memref<16x2048xf32, #tpu.memory_space<vmem>>, vector<1x16xf32>,
        %parallel_loop3A_123 = vector.shape_cast %parallel_loop3A_122 : vector<1x16xf32> to vector<16xf32>
        %parallel_loop3A_124 = arith.constant 4 : i32
        %parallel_loop3A_125 = arith.index_cast %parallel_loop3A_124 : i32 to index
        %parallel_loop3A_126 = arith.index_cast %parallel_loop3A_103 : i32 to index
        %parallel_loop3A_127 = tpu.vector_load %arg4[%parallel_loop3A_125, %parallel_loop3A_126] {strides = array<i32>} : memref<16x2048xf32, #tpu.memory_space<vmem>>, vector<1x16xf32>,
        %parallel_loop3A_128 = vector.shape_cast %parallel_loop3A_127 : vector<1x16xf32> to vector<16xf32>
        %parallel_loop3A_129 = arith.constant 5 : i32
        %parallel_loop3A_130 = arith.index_cast %parallel_loop3A_129 : i32 to index
        %parallel_loop3A_131 = arith.index_cast %parallel_loop3A_103 : i32 to index
        %parallel_loop3A_132 = tpu.vector_load %arg4[%parallel_loop3A_130, %parallel_loop3A_131] {strides = array<i32>} : memref<16x2048xf32, #tpu.memory_space<vmem>>, vector<1x16xf32>,
        %parallel_loop3A_133 = vector.shape_cast %parallel_loop3A_132 : vector<1x16xf32> to vector<16xf32>
        %parallel_loop3A_134 = arith.constant 6 : i32
        %parallel_loop3A_135 = arith.index_cast %parallel_loop3A_134 : i32 to index
        %parallel_loop3A_136 = arith.index_cast %parallel_loop3A_103 : i32 to index
        %parallel_loop3A_137 = tpu.vector_load %arg4[%parallel_loop3A_135, %parallel_loop3A_136] {strides = array<i32>} : memref<16x2048xf32, #tpu.memory_space<vmem>>, vector<1x16xf32>,
        %parallel_loop3A_138 = vector.shape_cast %parallel_loop3A_137 : vector<1x16xf32> to vector<16xf32>
        %parallel_loop3A_139 = arith.constant 7 : i32
        %parallel_loop3A_140 = arith.index_cast %parallel_loop3A_139 : i32 to index
        %parallel_loop3A_141 = arith.index_cast %parallel_loop3A_103 : i32 to index
        %parallel_loop3A_142 = tpu.vector_load %arg4[%parallel_loop3A_140, %parallel_loop3A_141] {strides = array<i32>} : memref<16x2048xf32, #tpu.memory_space<vmem>>, vector<1x16xf32>,
        %parallel_loop3A_143 = vector.shape_cast %parallel_loop3A_142 : vector<1x16xf32> to vector<16xf32>
        %parallel_loop3A_144 = arith.constant 8 : i32
        %parallel_loop3A_145 = arith.index_cast %parallel_loop3A_144 : i32 to index
        %parallel_loop3A_146 = arith.index_cast %parallel_loop3A_103 : i32 to index
        %parallel_loop3A_147 = tpu.vector_load %arg4[%parallel_loop3A_145, %parallel_loop3A_146] {strides = array<i32>} : memref<16x2048xf32, #tpu.memory_space<vmem>>, vector<1x16xf32>,
        %parallel_loop3A_148 = vector.shape_cast %parallel_loop3A_147 : vector<1x16xf32> to vector<16xf32>
        %parallel_loop3A_149 = arith.constant 9 : i32
        %parallel_loop3A_150 = arith.index_cast %parallel_loop3A_149 : i32 to index
        %parallel_loop3A_151 = arith.index_cast %parallel_loop3A_103 : i32 to index
        %parallel_loop3A_152 = tpu.vector_load %arg4[%parallel_loop3A_150, %parallel_loop3A_151] {strides = array<i32>} : memref<16x2048xf32, #tpu.memory_space<vmem>>, vector<1x16xf32>,
        %parallel_loop3A_153 = vector.shape_cast %parallel_loop3A_152 : vector<1x16xf32> to vector<16xf32>
        %parallel_loop3A_154 = arith.constant 10 : i32
        %parallel_loop3A_155 = arith.index_cast %parallel_loop3A_154 : i32 to index
        %parallel_loop3A_156 = arith.index_cast %parallel_loop3A_103 : i32 to index
        %parallel_loop3A_157 = tpu.vector_load %arg4[%parallel_loop3A_155, %parallel_loop3A_156] {strides = array<i32>} : memref<16x2048xf32, #tpu.memory_space<vmem>>, vector<1x16xf32>,
        %parallel_loop3A_158 = vector.shape_cast %parallel_loop3A_157 : vector<1x16xf32> to vector<16xf32>
        %parallel_loop3A_159 = arith.constant 11 : i32
        %parallel_loop3A_160 = arith.index_cast %parallel_loop3A_159 : i32 to index
        %parallel_loop3A_161 = arith.index_cast %parallel_loop3A_103 : i32 to index
        %parallel_loop3A_162 = tpu.vector_load %arg4[%parallel_loop3A_160, %parallel_loop3A_161] {strides = array<i32>} : memref<16x2048xf32, #tpu.memory_space<vmem>>, vector<1x16xf32>,
        %parallel_loop3A_163 = vector.shape_cast %parallel_loop3A_162 : vector<1x16xf32> to vector<16xf32>
        %parallel_loop3A_164 = arith.constant 12 : i32
        %parallel_loop3A_165 = arith.index_cast %parallel_loop3A_164 : i32 to index
        %parallel_loop3A_166 = arith.index_cast %parallel_loop3A_103 : i32 to index
        %parallel_loop3A_167 = tpu.vector_load %arg4[%parallel_loop3A_165, %parallel_loop3A_166] {strides = array<i32>} : memref<16x2048xf32, #tpu.memory_space<vmem>>, vector<1x16xf32>,
        %parallel_loop3A_168 = vector.shape_cast %parallel_loop3A_167 : vector<1x16xf32> to vector<16xf32>
        %parallel_loop3A_169 = arith.constant 13 : i32
        %parallel_loop3A_170 = arith.index_cast %parallel_loop3A_169 : i32 to index
        %parallel_loop3A_171 = arith.index_cast %parallel_loop3A_103 : i32 to index
        %parallel_loop3A_172 = tpu.vector_load %arg4[%parallel_loop3A_170, %parallel_loop3A_171] {strides = array<i32>} : memref<16x2048xf32, #tpu.memory_space<vmem>>, vector<1x16xf32>,
        %parallel_loop3A_173 = vector.shape_cast %parallel_loop3A_172 : vector<1x16xf32> to vector<16xf32>
        %parallel_loop3A_174 = arith.constant 14 : i32
        %parallel_loop3A_175 = arith.index_cast %parallel_loop3A_174 : i32 to index
        %parallel_loop3A_176 = arith.index_cast %parallel_loop3A_103 : i32 to index
        %parallel_loop3A_177 = tpu.vector_load %arg4[%parallel_loop3A_175, %parallel_loop3A_176] {strides = array<i32>} : memref<16x2048xf32, #tpu.memory_space<vmem>>, vector<1x16xf32>,
        %parallel_loop3A_178 = vector.shape_cast %parallel_loop3A_177 : vector<1x16xf32> to vector<16xf32>
        %parallel_loop3A_179 = arith.constant 15 : i32
        %parallel_loop3A_180 = arith.index_cast %parallel_loop3A_179 : i32 to index
        %parallel_loop3A_181 = arith.index_cast %parallel_loop3A_103 : i32 to index
        %parallel_loop3A_182 = tpu.vector_load %arg4[%parallel_loop3A_180, %parallel_loop3A_181] {strides = array<i32>} : memref<16x2048xf32, #tpu.memory_space<vmem>>, vector<1x16xf32>,
        %parallel_loop3A_183 = vector.shape_cast %parallel_loop3A_182 : vector<1x16xf32> to vector<16xf32>
        %parallel_loop3A_184 = arith.addf %parallel_loop3A_108, %parallel_loop3A_113 : vector<16xf32>
        %parallel_loop3A_185 = arith.addf %parallel_loop3A_118, %parallel_loop3A_123 : vector<16xf32>
        %parallel_loop3A_186 = arith.addf %parallel_loop3A_128, %parallel_loop3A_133 : vector<16xf32>
        %parallel_loop3A_187 = arith.addf %parallel_loop3A_138, %parallel_loop3A_143 : vector<16xf32>
        %parallel_loop3A_188 = arith.addf %parallel_loop3A_148, %parallel_loop3A_153 : vector<16xf32>
        %parallel_loop3A_189 = arith.addf %parallel_loop3A_158, %parallel_loop3A_163 : vector<16xf32>
        %parallel_loop3A_190 = arith.addf %parallel_loop3A_168, %parallel_loop3A_173 : vector<16xf32>
        %parallel_loop3A_191 = arith.addf %parallel_loop3A_178, %parallel_loop3A_183 : vector<16xf32>
        %parallel_loop3A_192 = arith.addf %parallel_loop3A_184, %parallel_loop3A_185 : vector<16xf32>
        %parallel_loop3A_193 = arith.addf %parallel_loop3A_186, %parallel_loop3A_187 : vector<16xf32>
        %parallel_loop3A_194 = arith.addf %parallel_loop3A_188, %parallel_loop3A_189 : vector<16xf32>
        %parallel_loop3A_195 = arith.addf %parallel_loop3A_190, %parallel_loop3A_191 : vector<16xf32>
        %parallel_loop3A_196 = arith.addf %parallel_loop3A_192, %parallel_loop3A_193 : vector<16xf32>
        %parallel_loop3A_197 = arith.addf %parallel_loop3A_194, %parallel_loop3A_195 : vector<16xf32>
        %parallel_loop3A_198 = arith.addf %parallel_loop3A_196, %parallel_loop3A_197 : vector<16xf32>
        %parallel_loop3A_199 = arith.index_cast %parallel_loop3A_103 : i32 to index
        %parallel_loop3A_200 = tpu.vector_load %arg6[%parallel_loop3A_199] {strides = array<i32>} : memref<2048xf32, #tpu.memory_space<vmem>>, vector<16xf32>,
        %parallel_loop3A_201 = vector.shape_cast %parallel_loop3A_200 : vector<16xf32> to vector<16xf32>
        %parallel_loop3A_202 = arith.addf %parallel_loop3A_201, %parallel_loop3A_198 : vector<16xf32>
        %parallel_loop3A_203 = arith.index_cast %parallel_loop3A_103 : i32 to index
        %parallel_loop3A_204 = tpu.vector_load %arg6[%parallel_loop3A_203] {strides = array<i32>} : memref<2048xf32, #tpu.memory_space<vmem>>, vector<16xf32>,
        %parallel_loop3A_205 = vector.shape_cast %parallel_loop3A_204 : vector<16xf32> to vector<16xf32>
        %parallel_loop3A_206 = vector.shape_cast %parallel_loop3A_202 : vector<16xf32> to vector<16xf32>
        tpu.vector_store %arg6[%parallel_loop3A_203], %parallel_loop3A_206 {strides = array<i32>} : memref<2048xf32, #tpu.memory_space<vmem>>, vector<16xf32>,
      } {sc.loop_unroll_factor = 4 : i64, sc.parallel_access}
      %add3A_83 = arith.constant 1 : i32
      %add3A_84 = arith.addi %mul3A_61, %add3A_83 : i32
      %mul3A_85 = arith.constant 16 : i32
      %mul3A_86 = arith.muli %add3A_84, %mul3A_85 : i32
      %add3A_87 = arith.addi %add3A_34, %mul3A_86 : i32
      %dma_wait3A_88 = arith.constant 0 : i32
      %dma_wait3A_89 = tpu.memref_slice %arg2[%select_n3A, %add3A_87, %dma_wait3A_88] : memref<4x8192x2048xf32, #tpu.memory_space<hbm>> -> memref<1x16x2048xf32, #tpu.memory_space<hbm>>
      %dma_wait3A_90 = tpu.memref_squeeze %dma_wait3A_89 : memref<1x16x2048xf32, #tpu.memory_space<hbm>> -> memref<16x2048xf32, #tpu.memory_space<hbm>>
      %dma_wait3A_91 = arith.constant 0 : i32
      %dma_wait3A_92 = tpu.memref_slice %arg2[%select_n3A, %add3A_87, %dma_wait3A_91] : memref<4x8192x2048xf32, #tpu.memory_space<hbm>> -> memref<1x16x2048xf32, #tpu.memory_space<hbm>>
      %dma_wait3A_93 = tpu.memref_squeeze %dma_wait3A_92 : memref<1x16x2048xf32, #tpu.memory_space<hbm>> -> memref<16x2048xf32, #tpu.memory_space<hbm>>
      tpu.wait_dma2 semaphore(%arg8 : memref<!tpu.dma_semaphore, #tpu.memory_space<semaphore_mem>>) src(%dma_wait3A_93 : memref<16x2048xf32, #tpu.memory_space<hbm>>) dst(%arg5 : memref<16x2048xf32, #tpu.memory_space<vmem>>)
      %lt3A_94 = arith.constant 1 : i32
      %lt3A_95 = arith.cmpi slt, %scan3A_58, %lt3A_94 : i32
      %convert_element_type3A = arith.extui %lt3A_95 : i1 to i32
      %cond3A = arith.constant 0 : i32
      %cond3A_96 = arith.cmpi ne, %convert_element_type3A, %cond3A : i32
      scf.if %cond3A_96 {
        %add3A_101 = arith.constant 2 : i32
        %add3A_102 = arith.addi %mul3A_61, %add3A_101 : i32
        %mul3A_103 = arith.constant 16 : i32
        %mul3A_104 = arith.muli %add3A_102, %mul3A_103 : i32
        %add3A_105 = arith.addi %add3A_34, %mul3A_104 : i32
        %dma_start3A_106 = arith.constant 0 : i32
        %dma_start3A_107 = tpu.memref_slice %arg2[%select_n3A, %add3A_105, %dma_start3A_106] : memref<4x8192x2048xf32, #tpu.memory_space<hbm>> -> memref<1x16x2048xf32, #tpu.memory_space<hbm>>
        %dma_start3A_108 = tpu.memref_squeeze %dma_start3A_107 : memref<1x16x2048xf32, #tpu.memory_space<hbm>> -> memref<16x2048xf32, #tpu.memory_space<hbm>>
        %dma_start3A_109 = arith.constant 0 : i32
        %dma_start3A_110 = tpu.memref_slice %arg2[%select_n3A, %add3A_105, %dma_start3A_109] : memref<4x8192x2048xf32, #tpu.memory_space<hbm>> -> memref<1x16x2048xf32, #tpu.memory_space<hbm>>
        %dma_start3A_111 = tpu.memref_squeeze %dma_start3A_110 : memref<1x16x2048xf32, #tpu.memory_space<hbm>> -> memref<16x2048xf32, #tpu.memory_space<hbm>>
        tpu.enqueue_dma source(%dma_start3A_111 : memref<16x2048xf32, #tpu.memory_space<hbm>>) target(%arg4 : memref<16x2048xf32, #tpu.memory_space<vmem>>) target_semaphore(%arg7 : memref<!tpu.dma_semaphore, #tpu.memory_space<semaphore_mem>>)
      } else {
      }
      %parallel_loop3A_97 = arith.constant 0 : i32
      %parallel_loop3A_98 = arith.constant 128 : i32
      %parallel_loop3A_99 = arith.constant 1 : i32
      scf.for %parallel_loop3A_101 = %parallel_loop3A_97 to %parallel_loop3A_98 step %parallel_loop3A_99  : i32 {
        %parallel_loop3A_102 = arith.constant 16 : i32
        %parallel_loop3A_103 = arith.muli %parallel_loop3A_101, %parallel_loop3A_102 : i32
        %parallel_loop3A_104 = arith.constant 0 : i32
        %parallel_loop3A_105 = arith.index_cast %parallel_loop3A_104 : i32 to index
        %parallel_loop3A_106 = arith.index_cast %parallel_loop3A_103 : i32 to index
        %parallel_loop3A_107 = tpu.vector_load %arg5[%parallel_loop3A_105, %parallel_loop3A_106] {strides = array<i32>} : memref<16x2048xf32, #tpu.memory_space<vmem>>, vector<1x16xf32>,
        %parallel_loop3A_108 = vector.shape_cast %parallel_loop3A_107 : vector<1x16xf32> to vector<16xf32>
        %parallel_loop3A_109 = arith.constant 1 : i32
        %parallel_loop3A_110 = arith.index_cast %parallel_loop3A_109 : i32 to index
        %parallel_loop3A_111 = arith.index_cast %parallel_loop3A_103 : i32 to index
        %parallel_loop3A_112 = tpu.vector_load %arg5[%parallel_loop3A_110, %parallel_loop3A_111] {strides = array<i32>} : memref<16x2048xf32, #tpu.memory_space<vmem>>, vector<1x16xf32>,
        %parallel_loop3A_113 = vector.shape_cast %parallel_loop3A_112 : vector<1x16xf32> to vector<16xf32>
        %parallel_loop3A_114 = arith.constant 2 : i32
        %parallel_loop3A_115 = arith.index_cast %parallel_loop3A_114 : i32 to index
        %parallel_loop3A_116 = arith.index_cast %parallel_loop3A_103 : i32 to index
        %parallel_loop3A_117 = tpu.vector_load %arg5[%parallel_loop3A_115, %parallel_loop3A_116] {strides = array<i32>} : memref<16x2048xf32, #tpu.memory_space<vmem>>, vector<1x16xf32>,
        %parallel_loop3A_118 = vector.shape_cast %parallel_loop3A_117 : vector<1x16xf32> to vector<16xf32>
        %parallel_loop3A_119 = arith.constant 3 : i32
        %parallel_loop3A_120 = arith.index_cast %parallel_loop3A_119 : i32 to index
        %parallel_loop3A_121 = arith.index_cast %parallel_loop3A_103 : i32 to index
        %parallel_loop3A_122 = tpu.vector_load %arg5[%parallel_loop3A_120, %parallel_loop3A_121] {strides = array<i32>} : memref<16x2048xf32, #tpu.memory_space<vmem>>, vector<1x16xf32>,
        %parallel_loop3A_123 = vector.shape_cast %parallel_loop3A_122 : vector<1x16xf32> to vector<16xf32>
        %parallel_loop3A_124 = arith.constant 4 : i32
        %parallel_loop3A_125 = arith.index_cast %parallel_loop3A_124 : i32 to index
        %parallel_loop3A_126 = arith.index_cast %parallel_loop3A_103 : i32 to index
        %parallel_loop3A_127 = tpu.vector_load %arg5[%parallel_loop3A_125, %parallel_loop3A_126] {strides = array<i32>} : memref<16x2048xf32, #tpu.memory_space<vmem>>, vector<1x16xf32>,
        %parallel_loop3A_128 = vector.shape_cast %parallel_loop3A_127 : vector<1x16xf32> to vector<16xf32>
        %parallel_loop3A_129 = arith.constant 5 : i32
        %parallel_loop3A_130 = arith.index_cast %parallel_loop3A_129 : i32 to index
        %parallel_loop3A_131 = arith.index_cast %parallel_loop3A_103 : i32 to index
        %parallel_loop3A_132 = tpu.vector_load %arg5[%parallel_loop3A_130, %parallel_loop3A_131] {strides = array<i32>} : memref<16x2048xf32, #tpu.memory_space<vmem>>, vector<1x16xf32>,
        %parallel_loop3A_133 = vector.shape_cast %parallel_loop3A_132 : vector<1x16xf32> to vector<16xf32>
        %parallel_loop3A_134 = arith.constant 6 : i32
        %parallel_loop3A_135 = arith.index_cast %parallel_loop3A_134 : i32 to index
        %parallel_loop3A_136 = arith.index_cast %parallel_loop3A_103 : i32 to index
        %parallel_loop3A_137 = tpu.vector_load %arg5[%parallel_loop3A_135, %parallel_loop3A_136] {strides = array<i32>} : memref<16x2048xf32, #tpu.memory_space<vmem>>, vector<1x16xf32>,
        %parallel_loop3A_138 = vector.shape_cast %parallel_loop3A_137 : vector<1x16xf32> to vector<16xf32>
        %parallel_loop3A_139 = arith.constant 7 : i32
        %parallel_loop3A_140 = arith.index_cast %parallel_loop3A_139 : i32 to index
        %parallel_loop3A_141 = arith.index_cast %parallel_loop3A_103 : i32 to index
        %parallel_loop3A_142 = tpu.vector_load %arg5[%parallel_loop3A_140, %parallel_loop3A_141] {strides = array<i32>} : memref<16x2048xf32, #tpu.memory_space<vmem>>, vector<1x16xf32>,
        %parallel_loop3A_143 = vector.shape_cast %parallel_loop3A_142 : vector<1x16xf32> to vector<16xf32>
        %parallel_loop3A_144 = arith.constant 8 : i32
        %parallel_loop3A_145 = arith.index_cast %parallel_loop3A_144 : i32 to index
        %parallel_loop3A_146 = arith.index_cast %parallel_loop3A_103 : i32 to index
        %parallel_loop3A_147 = tpu.vector_load %arg5[%parallel_loop3A_145, %parallel_loop3A_146] {strides = array<i32>} : memref<16x2048xf32, #tpu.memory_space<vmem>>, vector<1x16xf32>,
        %parallel_loop3A_148 = vector.shape_cast %parallel_loop3A_147 : vector<1x16xf32> to vector<16xf32>
        %parallel_loop3A_149 = arith.constant 9 : i32
        %parallel_loop3A_150 = arith.index_cast %parallel_loop3A_149 : i32 to index
        %parallel_loop3A_151 = arith.index_cast %parallel_loop3A_103 : i32 to index
        %parallel_loop3A_152 = tpu.vector_load %arg5[%parallel_loop3A_150, %parallel_loop3A_151] {strides = array<i32>} : memref<16x2048xf32, #tpu.memory_space<vmem>>, vector<1x16xf32>,
        %parallel_loop3A_153 = vector.shape_cast %parallel_loop3A_152 : vector<1x16xf32> to vector<16xf32>
        %parallel_loop3A_154 = arith.constant 10 : i32
        %parallel_loop3A_155 = arith.index_cast %parallel_loop3A_154 : i32 to index
        %parallel_loop3A_156 = arith.index_cast %parallel_loop3A_103 : i32 to index
        %parallel_loop3A_157 = tpu.vector_load %arg5[%parallel_loop3A_155, %parallel_loop3A_156] {strides = array<i32>} : memref<16x2048xf32, #tpu.memory_space<vmem>>, vector<1x16xf32>,
        %parallel_loop3A_158 = vector.shape_cast %parallel_loop3A_157 : vector<1x16xf32> to vector<16xf32>
        %parallel_loop3A_159 = arith.constant 11 : i32
        %parallel_loop3A_160 = arith.index_cast %parallel_loop3A_159 : i32 to index
        %parallel_loop3A_161 = arith.index_cast %parallel_loop3A_103 : i32 to index
        %parallel_loop3A_162 = tpu.vector_load %arg5[%parallel_loop3A_160, %parallel_loop3A_161] {strides = array<i32>} : memref<16x2048xf32, #tpu.memory_space<vmem>>, vector<1x16xf32>,
        %parallel_loop3A_163 = vector.shape_cast %parallel_loop3A_162 : vector<1x16xf32> to vector<16xf32>
        %parallel_loop3A_164 = arith.constant 12 : i32
        %parallel_loop3A_165 = arith.index_cast %parallel_loop3A_164 : i32 to index
        %parallel_loop3A_166 = arith.index_cast %parallel_loop3A_103 : i32 to index
        %parallel_loop3A_167 = tpu.vector_load %arg5[%parallel_loop3A_165, %parallel_loop3A_166] {strides = array<i32>} : memref<16x2048xf32, #tpu.memory_space<vmem>>, vector<1x16xf32>,
        %parallel_loop3A_168 = vector.shape_cast %parallel_loop3A_167 : vector<1x16xf32> to vector<16xf32>
        %parallel_loop3A_169 = arith.constant 13 : i32
        %parallel_loop3A_170 = arith.index_cast %parallel_loop3A_169 : i32 to index
        %parallel_loop3A_171 = arith.index_cast %parallel_loop3A_103 : i32 to index
        %parallel_loop3A_172 = tpu.vector_load %arg5[%parallel_loop3A_170, %parallel_loop3A_171] {strides = array<i32>} : memref<16x2048xf32, #tpu.memory_space<vmem>>, vector<1x16xf32>,
        %parallel_loop3A_173 = vector.shape_cast %parallel_loop3A_172 : vector<1x16xf32> to vector<16xf32>
        %parallel_loop3A_174 = arith.constant 14 : i32
        %parallel_loop3A_175 = arith.index_cast %parallel_loop3A_174 : i32 to index
        %parallel_loop3A_176 = arith.index_cast %parallel_loop3A_103 : i32 to index
        %parallel_loop3A_177 = tpu.vector_load %arg5[%parallel_loop3A_175, %parallel_loop3A_176] {strides = array<i32>} : memref<16x2048xf32, #tpu.memory_space<vmem>>, vector<1x16xf32>,
        %parallel_loop3A_178 = vector.shape_cast %parallel_loop3A_177 : vector<1x16xf32> to vector<16xf32>
        %parallel_loop3A_179 = arith.constant 15 : i32
        %parallel_loop3A_180 = arith.index_cast %parallel_loop3A_179 : i32 to index
        %parallel_loop3A_181 = arith.index_cast %parallel_loop3A_103 : i32 to index
        %parallel_loop3A_182 = tpu.vector_load %arg5[%parallel_loop3A_180, %parallel_loop3A_181] {strides = array<i32>} : memref<16x2048xf32, #tpu.memory_space<vmem>>, vector<1x16xf32>,
        %parallel_loop3A_183 = vector.shape_cast %parallel_loop3A_182 : vector<1x16xf32> to vector<16xf32>
        %parallel_loop3A_184 = arith.addf %parallel_loop3A_108, %parallel_loop3A_113 : vector<16xf32>
        %parallel_loop3A_185 = arith.addf %parallel_loop3A_118, %parallel_loop3A_123 : vector<16xf32>
        %parallel_loop3A_186 = arith.addf %parallel_loop3A_128, %parallel_loop3A_133 : vector<16xf32>
        %parallel_loop3A_187 = arith.addf %parallel_loop3A_138, %parallel_loop3A_143 : vector<16xf32>
        %parallel_loop3A_188 = arith.addf %parallel_loop3A_148, %parallel_loop3A_153 : vector<16xf32>
        %parallel_loop3A_189 = arith.addf %parallel_loop3A_158, %parallel_loop3A_163 : vector<16xf32>
        %parallel_loop3A_190 = arith.addf %parallel_loop3A_168, %parallel_loop3A_173 : vector<16xf32>
        %parallel_loop3A_191 = arith.addf %parallel_loop3A_178, %parallel_loop3A_183 : vector<16xf32>
        %parallel_loop3A_192 = arith.addf %parallel_loop3A_184, %parallel_loop3A_185 : vector<16xf32>
        %parallel_loop3A_193 = arith.addf %parallel_loop3A_186, %parallel_loop3A_187 : vector<16xf32>
        %parallel_loop3A_194 = arith.addf %parallel_loop3A_188, %parallel_loop3A_189 : vector<16xf32>
        %parallel_loop3A_195 = arith.addf %parallel_loop3A_190, %parallel_loop3A_191 : vector<16xf32>
        %parallel_loop3A_196 = arith.addf %parallel_loop3A_192, %parallel_loop3A_193 : vector<16xf32>
        %parallel_loop3A_197 = arith.addf %parallel_loop3A_194, %parallel_loop3A_195 : vector<16xf32>
        %parallel_loop3A_198 = arith.addf %parallel_loop3A_196, %parallel_loop3A_197 : vector<16xf32>
        %parallel_loop3A_199 = arith.index_cast %parallel_loop3A_103 : i32 to index
        %parallel_loop3A_200 = tpu.vector_load %arg6[%parallel_loop3A_199] {strides = array<i32>} : memref<2048xf32, #tpu.memory_space<vmem>>, vector<16xf32>,
        %parallel_loop3A_201 = vector.shape_cast %parallel_loop3A_200 : vector<16xf32> to vector<16xf32>
        %parallel_loop3A_202 = arith.addf %parallel_loop3A_201, %parallel_loop3A_198 : vector<16xf32>
        %parallel_loop3A_203 = arith.index_cast %parallel_loop3A_103 : i32 to index
        %parallel_loop3A_204 = tpu.vector_load %arg6[%parallel_loop3A_203] {strides = array<i32>} : memref<2048xf32, #tpu.memory_space<vmem>>, vector<16xf32>,
        %parallel_loop3A_205 = vector.shape_cast %parallel_loop3A_204 : vector<16xf32> to vector<16xf32>
        %parallel_loop3A_206 = vector.shape_cast %parallel_loop3A_202 : vector<16xf32> to vector<16xf32>
        tpu.vector_store %arg6[%parallel_loop3A_203], %parallel_loop3A_206 {strides = array<i32>} : memref<2048xf32, #tpu.memory_space<vmem>>, vector<16xf32>,
      } {sc.loop_unroll_factor = 4 : i64, sc.parallel_access}
      %scan3A_100 = arith.constant 0 : i32
      scf.yield %scan3A_100 : i32
    }
    %scan3A_54 = arith.constant 2 : i32
    %mul3A_55 = arith.constant 4 : i32
    %mul3A_56 = arith.muli %select_n3A_30, %mul3A_55 : i32
    %add3A_57 = arith.addi %mul3A_56, %select_n3A : i32
    "tpu.region"() ({
      %run_scoped3A = tpu.sem_alloc : memref<!tpu.dma_semaphore, #tpu.memory_space<semaphore_mem>>
      %dma_start3A_58 = arith.constant 0 : i32
      %dma_start3A_59 = tpu.memref_slice %arg3[%add3A_57, %dma_start3A_58] : memref<32x2048xf32, #tpu.memory_space<hbm>> -> memref<1x2048xf32, #tpu.memory_space<hbm>>
      %dma_start3A_60 = tpu.memref_squeeze %dma_start3A_59 : memref<1x2048xf32, #tpu.memory_space<hbm>> -> memref<2048xf32, #tpu.memory_space<hbm>>
      %dma_start3A_61 = arith.constant 0 : i32
      %dma_start3A_62 = tpu.memref_slice %arg3[%add3A_57, %dma_start3A_61] : memref<32x2048xf32, #tpu.memory_space<hbm>> -> memref<1x2048xf32, #tpu.memory_space<hbm>>
      %dma_start3A_63 = tpu.memref_squeeze %dma_start3A_62 : memref<1x2048xf32, #tpu.memory_space<hbm>> -> memref<2048xf32, #tpu.memory_space<hbm>>
      tpu.enqueue_dma source(%arg6 : memref<2048xf32, #tpu.memory_space<vmem>>) target(%dma_start3A_63 : memref<2048xf32, #tpu.memory_space<hbm>>) target_semaphore(%run_scoped3A : memref<!tpu.dma_semaphore, #tpu.memory_space<semaphore_mem>>)
      %dma_wait3A = arith.constant 0 : i32
      %dma_wait3A_64 = tpu.memref_slice %arg3[%add3A_57, %dma_wait3A] : memref<32x2048xf32, #tpu.memory_space<hbm>> -> memref<1x2048xf32, #tpu.memory_space<hbm>>
      %dma_wait3A_65 = tpu.memref_squeeze %dma_wait3A_64 : memref<1x2048xf32, #tpu.memory_space<hbm>> -> memref<2048xf32, #tpu.memory_space<hbm>>
      %dma_wait3A_66 = arith.constant 0 : i32
      %dma_wait3A_67 = tpu.memref_slice %arg3[%add3A_57, %dma_wait3A_66] : memref<32x2048xf32, #tpu.memory_space<hbm>> -> memref<1x2048xf32, #tpu.memory_space<hbm>>
      %dma_wait3A_68 = tpu.memref_squeeze %dma_wait3A_67 : memref<1x2048xf32, #tpu.memory_space<hbm>> -> memref<2048xf32, #tpu.memory_space<hbm>>
      tpu.wait_dma2 semaphore(%run_scoped3A : memref<!tpu.dma_semaphore, #tpu.memory_space<semaphore_mem>>) src(%arg6 : memref<2048xf32, #tpu.memory_space<vmem>>) dst(%dma_wait3A_68 : memref<2048xf32, #tpu.memory_space<hbm>>)
      tpu.yield
    }) : () -> ()
    return
  }
}

module attributes {stable_mosaic.version = 14 : i64} {
  func.func @_tc_body(%arg0: i32, %arg1: i32, %arg2: memref<1x512x2048xf32, #tpu.memory_space<vmem>>, %arg3: memref<1x1x2048xf32, #tpu.memory_space<vmem>>) attributes {dimension_semantics = [#tpu.dimension_semantics<arbitrary>, #tpu.dimension_semantics<arbitrary>], iteration_bounds = array<i64: 4, 15>, scalar_prefetch = 0 : i64, scratch_operands = 0 : i64, tpu.core_type = #tpu.core_type<tc>, window_params = [{transform_indices = @transform_0, window_bounds = array<i64: 1, 512, 2048>}, {transform_indices = @transform_1, window_bounds = array<i64: 1, 1, 2048>}]} {
    %eq3A = arith.constant 0 : i32
    %eq3A_0 = arith.cmpi eq, %arg1, %eq3A : i32
    %convert_element_type3A = arith.extui %eq3A_0 : i1 to i32
    %cond3A = arith.constant 0 : i32
    %cond3A_1 = arith.cmpi ne, %convert_element_type3A, %cond3A : i32
    scf.if %cond3A_1 {
      %broadcast_in_dim3A_17 = arith.constant 0.000000e+00 : f32
      %broadcast_in_dim3A_18 = vector.broadcast %broadcast_in_dim3A_17 : f32 to vector<1x1x2048xf32>
      %swap3A_19 = arith.constant 0 : index
      %swap3A_20 = arith.constant 0 : index
      %swap3A_21 = arith.constant 0 : index
      %swap3A_22 = vector.load %arg3[%swap3A_19, %swap3A_20, %swap3A_21] : memref<1x1x2048xf32, #tpu.memory_space<vmem>>, vector<1x1x2048xf32>
      tpu.vector_store %arg3[%swap3A_19, %swap3A_20, %swap3A_21], %broadcast_in_dim3A_18 {strides = array<i32>} : memref<1x1x2048xf32, #tpu.memory_space<vmem>>, vector<1x1x2048xf32>,
    } else {
    }
    %get3A = arith.constant 0 : index
    %get3A_2 = arith.constant 0 : index
    %get3A_3 = arith.constant 0 : index
    %get3A_4 = vector.load %arg3[%get3A, %get3A_2, %get3A_3] : memref<1x1x2048xf32, #tpu.memory_space<vmem>>, vector<1x1x2048xf32>
    %get3A_5 = vector.shape_cast %get3A_4 : vector<1x1x2048xf32> to vector<1x2048xf32>
    %get3A_6 = arith.constant 0 : index
    %get3A_7 = arith.constant 0 : index
    %get3A_8 = arith.constant 0 : index
    %get3A_9 = vector.load %arg2[%get3A_6, %get3A_7, %get3A_8] : memref<1x512x2048xf32, #tpu.memory_space<vmem>>, vector<1x512x2048xf32>
    %get3A_10 = vector.shape_cast %get3A_9 : vector<1x512x2048xf32> to vector<512x2048xf32>
    %reduce_sum3A = arith.constant dense<0.000000e+00> : vector<2048xf32>
    %reduce_sum3A_11 = vector.multi_reduction <add>, %get3A_10, %reduce_sum3A [0] : vector<512x2048xf32> to vector<2048xf32>
    %broadcast_in_dim3A = vector.shape_cast %reduce_sum3A_11 : vector<2048xf32> to vector<1x2048xf32>
    %add3A = arith.addf %get3A_5, %broadcast_in_dim3A : vector<1x2048xf32>
    %swap3A = arith.constant 0 : index
    %swap3A_12 = arith.constant 0 : index
    %swap3A_13 = arith.constant 0 : index
    %swap3A_14 = vector.load %arg3[%swap3A, %swap3A_12, %swap3A_13] : memref<1x1x2048xf32, #tpu.memory_space<vmem>>, vector<1x1x2048xf32>
    %swap3A_15 = vector.shape_cast %swap3A_14 : vector<1x1x2048xf32> to vector<1x2048xf32>
    %swap3A_16 = vector.shape_cast %add3A : vector<1x2048xf32> to vector<1x1x2048xf32>
    tpu.vector_store %arg3[%swap3A, %swap3A_12, %swap3A_13], %swap3A_16 {strides = array<i32>} : memref<1x1x2048xf32, #tpu.memory_space<vmem>>, vector<1x1x2048xf32>,
    return
  }
  func.func @transform_0(%arg0: i32, %arg1: i32) -> (i32, i32, i32) {
    %c0_i32 = arith.constant 0 : i32
    %c0_i32_0 = arith.constant 0 : i32
    return %arg0, %arg1, %c0_i32 : i32, i32, i32
  }
  func.func @transform_1(%arg0: i32, %arg1: i32) -> (i32, i32, i32) {
    %c0_i32 = arith.constant 0 : i32
    %c0_i32_0 = arith.constant 0 : i32
    %c0_i32_1 = arith.constant 0 : i32
    return %arg0, %c0_i32, %c0_i32_0 : i32, i32, i32
  }
}

module attributes {stable_mosaic.version = 14 : i64} {
  func.func @_join_body(%arg0: memref<4x2048xf32, #tpu.memory_space<vmem>>, %arg1: memref<32x2048xf32, #tpu.memory_space<vmem>>, %arg2: memref<2048x2048xf32, #tpu.memory_space<vmem>>, %arg3: memref<1x2048xf32, #tpu.memory_space<vmem>>, %arg4: memref<2048x64xf32, #tpu.memory_space<vmem>>, %arg5: memref<1x64xf32, #tpu.memory_space<vmem>>, %arg6: memref<4x8xi32, #tpu.memory_space<vmem>>, %arg7: memref<4x8xf32, #tpu.memory_space<vmem>>) attributes {dimension_semantics = [], scalar_prefetch = 0 : i64, scratch_operands = 0 : i64, tpu.core_type = #tpu.core_type<tc>} {
    %get3A = arith.constant 0 : index
    %get3A_0 = arith.constant 0 : index
    %get3A_1 = vector.load %arg0[%get3A, %get3A_0] : memref<4x2048xf32, #tpu.memory_space<vmem>>, vector<4x2048xf32>
    %get3A_2 = arith.constant 0 : index
    %get3A_3 = arith.constant 0 : index
    %get3A_4 = vector.load %arg1[%get3A_2, %get3A_3] : memref<32x2048xf32, #tpu.memory_space<vmem>>, vector<4x2048xf32>
    %add3A = arith.addf %get3A_1, %get3A_4 : vector<4x2048xf32>
    %get3A_5 = arith.constant 4 : index
    %get3A_6 = arith.constant 0 : index
    %get3A_7 = vector.load %arg1[%get3A_5, %get3A_6] : memref<32x2048xf32, #tpu.memory_space<vmem>>, vector<4x2048xf32>
    %add3A_8 = arith.addf %add3A, %get3A_7 : vector<4x2048xf32>
    %get3A_9 = arith.constant 8 : index
    %get3A_10 = arith.constant 0 : index
    %get3A_11 = vector.load %arg1[%get3A_9, %get3A_10] : memref<32x2048xf32, #tpu.memory_space<vmem>>, vector<4x2048xf32>
    %add3A_12 = arith.addf %add3A_8, %get3A_11 : vector<4x2048xf32>
    %get3A_13 = arith.constant 12 : index
    %get3A_14 = arith.constant 0 : index
    %get3A_15 = vector.load %arg1[%get3A_13, %get3A_14] : memref<32x2048xf32, #tpu.memory_space<vmem>>, vector<4x2048xf32>
    %add3A_16 = arith.addf %add3A_12, %get3A_15 : vector<4x2048xf32>
    %get3A_17 = arith.constant 16 : index
    %get3A_18 = arith.constant 0 : index
    %get3A_19 = vector.load %arg1[%get3A_17, %get3A_18] : memref<32x2048xf32, #tpu.memory_space<vmem>>, vector<4x2048xf32>
    %add3A_20 = arith.addf %add3A_16, %get3A_19 : vector<4x2048xf32>
    %get3A_21 = arith.constant 20 : index
    %get3A_22 = arith.constant 0 : index
    %get3A_23 = vector.load %arg1[%get3A_21, %get3A_22] : memref<32x2048xf32, #tpu.memory_space<vmem>>, vector<4x2048xf32>
    %add3A_24 = arith.addf %add3A_20, %get3A_23 : vector<4x2048xf32>
    %get3A_25 = arith.constant 24 : index
    %get3A_26 = arith.constant 0 : index
    %get3A_27 = vector.load %arg1[%get3A_25, %get3A_26] : memref<32x2048xf32, #tpu.memory_space<vmem>>, vector<4x2048xf32>
    %add3A_28 = arith.addf %add3A_24, %get3A_27 : vector<4x2048xf32>
    %get3A_29 = arith.constant 28 : index
    %get3A_30 = arith.constant 0 : index
    %get3A_31 = vector.load %arg1[%get3A_29, %get3A_30] : memref<32x2048xf32, #tpu.memory_space<vmem>>, vector<4x2048xf32>
    %add3A_32 = arith.addf %add3A_28, %get3A_31 : vector<4x2048xf32>
    %mul3A = arith.constant 1.22070313E-4 : f32
    %mul3A_33 = vector.broadcast %mul3A : f32 to vector<4x2048xf32>
    %mul3A_34 = arith.mulf %add3A_32, %mul3A_33 : vector<4x2048xf32>
    %get3A_35 = arith.constant 0 : index
    %get3A_36 = arith.constant 0 : index
    %get3A_37 = vector.load %arg2[%get3A_35, %get3A_36] : memref<2048x2048xf32, #tpu.memory_space<vmem>>, vector<2048x2048xf32>
    %dot_general3A = arith.constant dense<0.000000e+00> : vector<4x2048xf32>
    %dot_general3A_38 = tpu.matmul %mul3A_34, %get3A_37, %dot_general3A {dimension_numbers = #tpu.dot_dimension_numbers<[1], [0], [0], [1], [0, 0, 1, 1], [], []>, transpose_lhs_hint = false} : vector<4x2048xf32>, vector<2048x2048xf32>, vector<4x2048xf32> -> vector<4x2048xf32>
    %get3A_39 = arith.constant 0 : index
    %get3A_40 = arith.constant 0 : index
    %get3A_41 = vector.load %arg3[%get3A_39, %get3A_40] : memref<1x2048xf32, #tpu.memory_space<vmem>>, vector<1x2048xf32>
    %add3A_42 = vector.broadcast %get3A_41 : vector<1x2048xf32> to vector<4x2048xf32>
    %add3A_43 = arith.addf %dot_general3A_38, %add3A_42 : vector<4x2048xf32>
    %mul3A_44 = arith.constant 5.000000e-01 : f32
    %mul3A_45 = vector.broadcast %mul3A_44 : f32 to vector<4x2048xf32>
    %mul3A_46 = arith.mulf %mul3A_45, %add3A_43 : vector<4x2048xf32>
    %mul3A_47 = arith.constant 0.707106769 : f32
    %mul3A_48 = vector.broadcast %mul3A_47 : f32 to vector<4x2048xf32>
    %mul3A_49 = arith.mulf %add3A_43, %mul3A_48 : vector<4x2048xf32>
    %erf3A = math.erf %mul3A_49 : vector<4x2048xf32>
    %add3A_50 = arith.constant 1.000000e+00 : f32
    %add3A_51 = vector.broadcast %add3A_50 : f32 to vector<4x2048xf32>
    %add3A_52 = arith.addf %add3A_51, %erf3A : vector<4x2048xf32>
    %mul3A_53 = arith.mulf %mul3A_46, %add3A_52 : vector<4x2048xf32>
    %get3A_54 = arith.constant 0 : index
    %get3A_55 = arith.constant 0 : index
    %get3A_56 = vector.load %arg4[%get3A_54, %get3A_55] : memref<2048x64xf32, #tpu.memory_space<vmem>>, vector<2048x64xf32>
    %dot_general3A_57 = arith.constant dense<0.000000e+00> : vector<4x64xf32>
    %dot_general3A_58 = tpu.matmul %mul3A_53, %get3A_56, %dot_general3A_57 {dimension_numbers = #tpu.dot_dimension_numbers<[1], [0], [0], [1], [0, 0, 1, 1], [], []>, transpose_lhs_hint = false} : vector<4x2048xf32>, vector<2048x64xf32>, vector<4x64xf32> -> vector<4x64xf32>
    %get3A_59 = arith.constant 0 : index
    %get3A_60 = arith.constant 0 : index
    %get3A_61 = vector.load %arg5[%get3A_59, %get3A_60] : memref<1x64xf32, #tpu.memory_space<vmem>>, vector<1x64xf32>
    %add3A_62 = vector.broadcast %get3A_61 : vector<1x64xf32> to vector<4x64xf32>
    %add3A_63 = arith.addf %dot_general3A_58, %add3A_62 : vector<4x64xf32>
    %reduce_max3A = arith.constant dense<0xFF800000> : vector<4xf32>
    %reduce_max3A_64 = vector.multi_reduction <maximumf>, %add3A_63, %reduce_max3A [1] : vector<4x64xf32> to vector<4xf32>
    %broadcast_in_dim3A = vector.shape_cast %reduce_max3A_64 : vector<4xf32> to vector<4x1xf32>
    %sub3A = vector.broadcast %broadcast_in_dim3A : vector<4x1xf32> to vector<4x64xf32>
    %sub3A_65 = arith.subf %add3A_63, %sub3A : vector<4x64xf32>
    %exp3A = math.exp %sub3A_65 : vector<4x64xf32>
    %reduce_sum3A = arith.constant dense<0.000000e+00> : vector<4xf32>
    %reduce_sum3A_66 = vector.multi_reduction <add>, %exp3A, %reduce_sum3A [1] : vector<4x64xf32> to vector<4xf32>
    %broadcast_in_dim3A_67 = vector.shape_cast %reduce_sum3A_66 : vector<4xf32> to vector<4x1xf32>
    %div3A = vector.broadcast %broadcast_in_dim3A_67 : vector<4x1xf32> to vector<4x64xf32>
    %div3A_68 = arith.divf %exp3A, %div3A : vector<4x64xf32>
    %iota3A = tpu.iota {dimensions = array<i32: 1>} : vector<4x64xi32>
    %reduce_max3A_69 = arith.constant dense<0xFF800000> : vector<4xf32>
    %reduce_max3A_70 = vector.multi_reduction <maximumf>, %div3A_68, %reduce_max3A_69 [1] : vector<4x64xf32> to vector<4xf32>
    %broadcast_in_dim3A_71 = vector.shape_cast %reduce_max3A_70 : vector<4xf32> to vector<4x1xf32>
    %ge3A = vector.broadcast %broadcast_in_dim3A_71 : vector<4x1xf32> to vector<4x64xf32>
    %ge3A_72 = arith.cmpf oge, %div3A_68, %ge3A : vector<4x64xf32>
    %jit3A = arith.constant 64 : i32
    %broadcast_in_dim3A_73 = vector.broadcast %jit3A : i32 to vector<4x64xi32>
    %select_n3A = arith.select %ge3A_72, %iota3A, %broadcast_in_dim3A_73 : vector<4x64xi1>, vector<4x64xi32>
    %reduce_min3A = arith.constant dense<2147483647> : vector<4xi32>
    %reduce_min3A_74 = vector.multi_reduction <minsi>, %select_n3A, %reduce_min3A [1] : vector<4x64xi32> to vector<4xi32>
    %broadcast_in_dim3A_75 = vector.shape_cast %reduce_min3A_74 : vector<4xi32> to vector<4x1xi32>
    %eq3A = vector.broadcast %broadcast_in_dim3A_75 : vector<4x1xi32> to vector<4x64xi32>
    %eq3A_76 = arith.cmpi eq, %iota3A, %eq3A : vector<4x64xi32>
    %jit3A_77 = arith.constant 0xFF800000 : f32
    %broadcast_in_dim3A_78 = vector.broadcast %jit3A_77 : f32 to vector<4x64xf32>
    %select_n3A_79 = arith.select %eq3A_76, %broadcast_in_dim3A_78, %div3A_68 : vector<4x64xi1>, vector<4x64xf32>
    %reduce_max3A_80 = arith.constant dense<0xFF800000> : vector<4xf32>
    %reduce_max3A_81 = vector.multi_reduction <maximumf>, %select_n3A_79, %reduce_max3A_80 [1] : vector<4x64xf32> to vector<4xf32>
    %broadcast_in_dim3A_82 = vector.shape_cast %reduce_max3A_81 : vector<4xf32> to vector<4x1xf32>
    %ge3A_83 = vector.broadcast %broadcast_in_dim3A_82 : vector<4x1xf32> to vector<4x64xf32>
    %ge3A_84 = arith.cmpf oge, %select_n3A_79, %ge3A_83 : vector<4x64xf32>
    %jit3A_85 = arith.constant 64 : i32
    %broadcast_in_dim3A_86 = vector.broadcast %jit3A_85 : i32 to vector<4x64xi32>
    %select_n3A_87 = arith.select %ge3A_84, %iota3A, %broadcast_in_dim3A_86 : vector<4x64xi1>, vector<4x64xi32>
    %reduce_min3A_88 = arith.constant dense<2147483647> : vector<4xi32>
    %reduce_min3A_89 = vector.multi_reduction <minsi>, %select_n3A_87, %reduce_min3A_88 [1] : vector<4x64xi32> to vector<4xi32>
    %broadcast_in_dim3A_90 = vector.shape_cast %reduce_min3A_89 : vector<4xi32> to vector<4x1xi32>
    %eq3A_91 = vector.broadcast %broadcast_in_dim3A_90 : vector<4x1xi32> to vector<4x64xi32>
    %eq3A_92 = arith.cmpi eq, %iota3A, %eq3A_91 : vector<4x64xi32>
    %jit3A_93 = arith.constant 0xFF800000 : f32
    %broadcast_in_dim3A_94 = vector.broadcast %jit3A_93 : f32 to vector<4x64xf32>
    %select_n3A_95 = arith.select %eq3A_92, %broadcast_in_dim3A_94, %select_n3A_79 : vector<4x64xi1>, vector<4x64xf32>
    %reduce_max3A_96 = arith.constant dense<0xFF800000> : vector<4xf32>
    %reduce_max3A_97 = vector.multi_reduction <maximumf>, %select_n3A_95, %reduce_max3A_96 [1] : vector<4x64xf32> to vector<4xf32>
    %broadcast_in_dim3A_98 = vector.shape_cast %reduce_max3A_97 : vector<4xf32> to vector<4x1xf32>
    %ge3A_99 = vector.broadcast %broadcast_in_dim3A_98 : vector<4x1xf32> to vector<4x64xf32>
    %ge3A_100 = arith.cmpf oge, %select_n3A_95, %ge3A_99 : vector<4x64xf32>
    %jit3A_101 = arith.constant 64 : i32
    %broadcast_in_dim3A_102 = vector.broadcast %jit3A_101 : i32 to vector<4x64xi32>
    %select_n3A_103 = arith.select %ge3A_100, %iota3A, %broadcast_in_dim3A_102 : vector<4x64xi1>, vector<4x64xi32>
    %reduce_min3A_104 = arith.constant dense<2147483647> : vector<4xi32>
    %reduce_min3A_105 = vector.multi_reduction <minsi>, %select_n3A_103, %reduce_min3A_104 [1] : vector<4x64xi32> to vector<4xi32>
    %broadcast_in_dim3A_106 = vector.shape_cast %reduce_min3A_105 : vector<4xi32> to vector<4x1xi32>
    %eq3A_107 = vector.broadcast %broadcast_in_dim3A_106 : vector<4x1xi32> to vector<4x64xi32>
    %eq3A_108 = arith.cmpi eq, %iota3A, %eq3A_107 : vector<4x64xi32>
    %jit3A_109 = arith.constant 0xFF800000 : f32
    %broadcast_in_dim3A_110 = vector.broadcast %jit3A_109 : f32 to vector<4x64xf32>
    %select_n3A_111 = arith.select %eq3A_108, %broadcast_in_dim3A_110, %select_n3A_95 : vector<4x64xi1>, vector<4x64xf32>
    %reduce_max3A_112 = arith.constant dense<0xFF800000> : vector<4xf32>
    %reduce_max3A_113 = vector.multi_reduction <maximumf>, %select_n3A_111, %reduce_max3A_112 [1] : vector<4x64xf32> to vector<4xf32>
    %broadcast_in_dim3A_114 = vector.shape_cast %reduce_max3A_113 : vector<4xf32> to vector<4x1xf32>
    %ge3A_115 = vector.broadcast %broadcast_in_dim3A_114 : vector<4x1xf32> to vector<4x64xf32>
    %ge3A_116 = arith.cmpf oge, %select_n3A_111, %ge3A_115 : vector<4x64xf32>
    %jit3A_117 = arith.constant 64 : i32
    %broadcast_in_dim3A_118 = vector.broadcast %jit3A_117 : i32 to vector<4x64xi32>
    %select_n3A_119 = arith.select %ge3A_116, %iota3A, %broadcast_in_dim3A_118 : vector<4x64xi1>, vector<4x64xi32>
    %reduce_min3A_120 = arith.constant dense<2147483647> : vector<4xi32>
    %reduce_min3A_121 = vector.multi_reduction <minsi>, %select_n3A_119, %reduce_min3A_120 [1] : vector<4x64xi32> to vector<4xi32>
    %broadcast_in_dim3A_122 = vector.shape_cast %reduce_min3A_121 : vector<4xi32> to vector<4x1xi32>
    %eq3A_123 = vector.broadcast %broadcast_in_dim3A_122 : vector<4x1xi32> to vector<4x64xi32>
    %eq3A_124 = arith.cmpi eq, %iota3A, %eq3A_123 : vector<4x64xi32>
    %jit3A_125 = arith.constant 0xFF800000 : f32
    %broadcast_in_dim3A_126 = vector.broadcast %jit3A_125 : f32 to vector<4x64xf32>
    %select_n3A_127 = arith.select %eq3A_124, %broadcast_in_dim3A_126, %select_n3A_111 : vector<4x64xi1>, vector<4x64xf32>
    %reduce_max3A_128 = arith.constant dense<0xFF800000> : vector<4xf32>
    %reduce_max3A_129 = vector.multi_reduction <maximumf>, %select_n3A_127, %reduce_max3A_128 [1] : vector<4x64xf32> to vector<4xf32>
    %broadcast_in_dim3A_130 = vector.shape_cast %reduce_max3A_129 : vector<4xf32> to vector<4x1xf32>
    %ge3A_131 = vector.broadcast %broadcast_in_dim3A_130 : vector<4x1xf32> to vector<4x64xf32>
    %ge3A_132 = arith.cmpf oge, %select_n3A_127, %ge3A_131 : vector<4x64xf32>
    %jit3A_133 = arith.constant 64 : i32
    %broadcast_in_dim3A_134 = vector.broadcast %jit3A_133 : i32 to vector<4x64xi32>
    %select_n3A_135 = arith.select %ge3A_132, %iota3A, %broadcast_in_dim3A_134 : vector<4x64xi1>, vector<4x64xi32>
    %reduce_min3A_136 = arith.constant dense<2147483647> : vector<4xi32>
    %reduce_min3A_137 = vector.multi_reduction <minsi>, %select_n3A_135, %reduce_min3A_136 [1] : vector<4x64xi32> to vector<4xi32>
    %broadcast_in_dim3A_138 = vector.shape_cast %reduce_min3A_137 : vector<4xi32> to vector<4x1xi32>
    %eq3A_139 = vector.broadcast %broadcast_in_dim3A_138 : vector<4x1xi32> to vector<4x64xi32>
    %eq3A_140 = arith.cmpi eq, %iota3A, %eq3A_139 : vector<4x64xi32>
    %jit3A_141 = arith.constant 0xFF800000 : f32
    %broadcast_in_dim3A_142 = vector.broadcast %jit3A_141 : f32 to vector<4x64xf32>
    %select_n3A_143 = arith.select %eq3A_140, %broadcast_in_dim3A_142, %select_n3A_127 : vector<4x64xi1>, vector<4x64xf32>
    %reduce_max3A_144 = arith.constant dense<0xFF800000> : vector<4xf32>
    %reduce_max3A_145 = vector.multi_reduction <maximumf>, %select_n3A_143, %reduce_max3A_144 [1] : vector<4x64xf32> to vector<4xf32>
    %broadcast_in_dim3A_146 = vector.shape_cast %reduce_max3A_145 : vector<4xf32> to vector<4x1xf32>
    %ge3A_147 = vector.broadcast %broadcast_in_dim3A_146 : vector<4x1xf32> to vector<4x64xf32>
    %ge3A_148 = arith.cmpf oge, %select_n3A_143, %ge3A_147 : vector<4x64xf32>
    %jit3A_149 = arith.constant 64 : i32
    %broadcast_in_dim3A_150 = vector.broadcast %jit3A_149 : i32 to vector<4x64xi32>
    %select_n3A_151 = arith.select %ge3A_148, %iota3A, %broadcast_in_dim3A_150 : vector<4x64xi1>, vector<4x64xi32>
    %reduce_min3A_152 = arith.constant dense<2147483647> : vector<4xi32>
    %reduce_min3A_153 = vector.multi_reduction <minsi>, %select_n3A_151, %reduce_min3A_152 [1] : vector<4x64xi32> to vector<4xi32>
    %broadcast_in_dim3A_154 = vector.shape_cast %reduce_min3A_153 : vector<4xi32> to vector<4x1xi32>
    %eq3A_155 = vector.broadcast %broadcast_in_dim3A_154 : vector<4x1xi32> to vector<4x64xi32>
    %eq3A_156 = arith.cmpi eq, %iota3A, %eq3A_155 : vector<4x64xi32>
    %jit3A_157 = arith.constant 0xFF800000 : f32
    %broadcast_in_dim3A_158 = vector.broadcast %jit3A_157 : f32 to vector<4x64xf32>
    %select_n3A_159 = arith.select %eq3A_156, %broadcast_in_dim3A_158, %select_n3A_143 : vector<4x64xi1>, vector<4x64xf32>
    %reduce_max3A_160 = arith.constant dense<0xFF800000> : vector<4xf32>
    %reduce_max3A_161 = vector.multi_reduction <maximumf>, %select_n3A_159, %reduce_max3A_160 [1] : vector<4x64xf32> to vector<4xf32>
    %broadcast_in_dim3A_162 = vector.shape_cast %reduce_max3A_161 : vector<4xf32> to vector<4x1xf32>
    %ge3A_163 = vector.broadcast %broadcast_in_dim3A_162 : vector<4x1xf32> to vector<4x64xf32>
    %ge3A_164 = arith.cmpf oge, %select_n3A_159, %ge3A_163 : vector<4x64xf32>
    %jit3A_165 = arith.constant 64 : i32
    %broadcast_in_dim3A_166 = vector.broadcast %jit3A_165 : i32 to vector<4x64xi32>
    %select_n3A_167 = arith.select %ge3A_164, %iota3A, %broadcast_in_dim3A_166 : vector<4x64xi1>, vector<4x64xi32>
    %reduce_min3A_168 = arith.constant dense<2147483647> : vector<4xi32>
    %reduce_min3A_169 = vector.multi_reduction <minsi>, %select_n3A_167, %reduce_min3A_168 [1] : vector<4x64xi32> to vector<4xi32>
    %broadcast_in_dim3A_170 = vector.shape_cast %reduce_min3A_169 : vector<4xi32> to vector<4x1xi32>
    %eq3A_171 = vector.broadcast %broadcast_in_dim3A_170 : vector<4x1xi32> to vector<4x64xi32>
    %eq3A_172 = arith.cmpi eq, %iota3A, %eq3A_171 : vector<4x64xi32>
    %jit3A_173 = arith.constant 0xFF800000 : f32
    %broadcast_in_dim3A_174 = vector.broadcast %jit3A_173 : f32 to vector<4x64xf32>
    %select_n3A_175 = arith.select %eq3A_172, %broadcast_in_dim3A_174, %select_n3A_159 : vector<4x64xi1>, vector<4x64xf32>
    %reduce_max3A_176 = arith.constant dense<0xFF800000> : vector<4xf32>
    %reduce_max3A_177 = vector.multi_reduction <maximumf>, %select_n3A_175, %reduce_max3A_176 [1] : vector<4x64xf32> to vector<4xf32>
    %broadcast_in_dim3A_178 = vector.shape_cast %reduce_max3A_177 : vector<4xf32> to vector<4x1xf32>
    %ge3A_179 = vector.broadcast %broadcast_in_dim3A_178 : vector<4x1xf32> to vector<4x64xf32>
    %ge3A_180 = arith.cmpf oge, %select_n3A_175, %ge3A_179 : vector<4x64xf32>
    %jit3A_181 = arith.constant 64 : i32
    %broadcast_in_dim3A_182 = vector.broadcast %jit3A_181 : i32 to vector<4x64xi32>
    %select_n3A_183 = arith.select %ge3A_180, %iota3A, %broadcast_in_dim3A_182 : vector<4x64xi1>, vector<4x64xi32>
    %reduce_min3A_184 = arith.constant dense<2147483647> : vector<4xi32>
    %reduce_min3A_185 = vector.multi_reduction <minsi>, %select_n3A_183, %reduce_min3A_184 [1] : vector<4x64xi32> to vector<4xi32>
    %broadcast_in_dim3A_186 = vector.shape_cast %reduce_min3A_185 : vector<4xi32> to vector<4x1xi32>
    %concatenate3A = tpu.concatenate %broadcast_in_dim3A_71, %broadcast_in_dim3A_82, %broadcast_in_dim3A_98, %broadcast_in_dim3A_114, %broadcast_in_dim3A_130, %broadcast_in_dim3A_146, %broadcast_in_dim3A_162, %broadcast_in_dim3A_178 in 1 : vector<4x1xf32>, vector<4x1xf32>, vector<4x1xf32>, vector<4x1xf32>, vector<4x1xf32>, vector<4x1xf32>, vector<4x1xf32>, vector<4x1xf32> -> vector<4x8xf32>
    %concatenate3A_187 = tpu.concatenate %broadcast_in_dim3A_75, %broadcast_in_dim3A_90, %broadcast_in_dim3A_106, %broadcast_in_dim3A_122, %broadcast_in_dim3A_138, %broadcast_in_dim3A_154, %broadcast_in_dim3A_170, %broadcast_in_dim3A_186 in 1 : vector<4x1xi32>, vector<4x1xi32>, vector<4x1xi32>, vector<4x1xi32>, vector<4x1xi32>, vector<4x1xi32>, vector<4x1xi32>, vector<4x1xi32> -> vector<4x8xi32>
    %slice3A = vector.extract_strided_slice %concatenate3A {offsets = [0, 0], sizes = [4, 1], strides = [1, 1]} : vector<4x8xf32> to vector<4x1xf32>
    %sub3A_188 = vector.broadcast %slice3A : vector<4x1xf32> to vector<4x8xf32>
    %sub3A_189 = arith.subf %concatenate3A, %sub3A_188 : vector<4x8xf32>
    %exp3A_190 = math.exp %sub3A_189 : vector<4x8xf32>
    %reduce_sum3A_191 = arith.constant dense<0.000000e+00> : vector<4xf32>
    %reduce_sum3A_192 = vector.multi_reduction <add>, %exp3A_190, %reduce_sum3A_191 [1] : vector<4x8xf32> to vector<4xf32>
    %broadcast_in_dim3A_193 = vector.shape_cast %reduce_sum3A_192 : vector<4xf32> to vector<4x1xf32>
    %div3A_194 = vector.broadcast %broadcast_in_dim3A_193 : vector<4x1xf32> to vector<4x8xf32>
    %div3A_195 = arith.divf %exp3A_190, %div3A_194 : vector<4x8xf32>
    %swap3A = arith.constant 0 : index
    %swap3A_196 = arith.constant 0 : index
    %swap3A_197 = vector.load %arg6[%swap3A, %swap3A_196] : memref<4x8xi32, #tpu.memory_space<vmem>>, vector<4x8xi32>
    tpu.vector_store %arg6[%swap3A, %swap3A_196], %concatenate3A_187 {strides = array<i32>} : memref<4x8xi32, #tpu.memory_space<vmem>>, vector<4x8xi32>,
    %swap3A_198 = arith.constant 0 : index
    %swap3A_199 = arith.constant 0 : index
    %swap3A_200 = vector.load %arg7[%swap3A_198, %swap3A_199] : memref<4x8xf32, #tpu.memory_space<vmem>>, vector<4x8xf32>
    tpu.vector_store %arg7[%swap3A_198, %swap3A_199], %div3A_195 {strides = array<i32>} : memref<4x8xf32, #tpu.memory_space<vmem>>, vector<4x8xf32>,
    return
  }
}

</mosaic_0001>

<sc_bundles>
// kernel: kernel.5.cloned.1.call-start
scs
__scs_entry_jumppad:
0x0: {  	(pc) =	sbr.rel $0x88, $3  }
0x1: {  	(tag) =	ssettag $0x0;
	lr =	simm.s32 $0x1  }
0x2: {  	[smem:$0x3F9C] =	sst lr;
	_ =	strace $0xD0000000  }
0x3: {  	_ = 	snop  }
0x4: {  	_ = 	snop  }
0x5: {  	_ = 	snop  }
0x6: {  	_ = 	snop  }
0x7: {  	_ = 	snop  }
__scs_overlays_trampoline_lowered:
0x8: {  	[smem:$0x3FAB] =	sst s0  }
0x9: {  	[smem:$0x3FAC] =	sst s1  }
0xa: {  	[smem:$0x3FAD] =	sst s2  }
0xb: {  	[smem:$0x3FAE] =	sst s3  }
0xc: {  	[smem:$0x3FAF] =	sst s4  }
0xd: {  	[smem:$0x3FB0] =	sst s5  }
0xe: {  	[smem:$0x3FB1] =	sst s6  }
0xf: {  	[smem:$0x3FB2] =	sst s7  }
0x10: {  	[smem:$0x3FB3] =	sst s8  }
0x11: {  	[smem:$0x3FB4] =	sst s9;
	s0 =	simm.s32 @!p0 $0x0  }
0x12: {  	s1 =	sld [smem:$0x3F9A];
	s0 =	simm.s32 @p0 $0x1  }
0x13: {  	[smem:$0x3FB5] =	sst s0;
	s0 =	simm.s32 @!p1 $0x0  }
0x14: {  	s2 =	sld [smem:$0x3F99];
	s0 =	simm.s32 @p1 $0x1  }
0x15: {  	[smem:$0x3FB6] =	sst s0;
	s0 =	simm.s32 @!p2 $0x0  }
0x16: {  	s3 =	sld [smem:$0x3FDB];
	s0 =	simm.s32 @p2 $0x1  }
0x17: {  	s4 =	simm.s32 $0x1BF5;
	[smem:$0x3FB8] =	sst s0  }
0x18: {  	s0 =	sld [smem:$0x3F9B];
	_ =	swait.ge [sflag:s4], $0x0  }
0x19: {  	s7 =	sld [smem:$0x3F9C]  }
0x1a: {  	s8 =	sadd.s32 $0xFFFFE003, lr  }
0x1b: {  	s9 =	sadd.s32 $0xFFFFFEF7, lr;
	s5 =	simm.s32 $0xFFFFFFFF;
	p2 =	slt.u32 s8, $0xFFFFF086  }
0x1c: {  	p1 =	slt.u32 s9, $0xF7A;
	s5 =	simm.s32 @!p2 $0x0  }
0x1d: {  	s5 =	simm.s32 @p1 $0x1;
	p0 =	seq.s32 s7, s2  }
0x1e: {  	s7 =	smul.u32 @!p0 $0xF7A, s2;
	p2 =	seq.s32 @!p0 s5, $0x0  }
0x1f: {  	s9 =	smul.u32 $0xF7A, s1;
	s8 =	simm.s32 @!p0 $0x1BF5;
	p2 =	por !p2, p0  }
0x20: {  	[sflag:s8] =	ssyncset.s32 @!p0 $0xFFFFF086;
	s6 =	sadd.s32 @!p0 s3, s7;
	s7 =	simm.s32 @!p0 $0x108  }
0x21: {  	s3 =	sadd.s32 s3, s9;
	s6 =	sadd.s32 @!p0 $0x88, s6;
	s7 =	simm.s32 @p2 $0x1082  }
0x22: {  	[simem:s7], [sflag:s8] =	dma.local @!p0 [hbm:s6], $0xF7A  }
0x23: {  	s9 =	sor.u32 $0xD0000000, s2;
	s6 =	simm.s32 $0x108;
	_ =	swait.ge @!p0 [sflag:s8], $0x0  }
0x24: {  	s3 =	sadd.s32 $0x88, s3;
	s6 =	simm.s32 @!p1 $0x1082;
	[sflag:s4] =	ssyncset.s32 $0xFFFFF086  }
0x25: {  	[simem:s6], [sflag:s4] =	dma.local [hbm:s3], $0xF7A  }
0x26: {  	[smem:$0x3F9C] =	sst s1;
	(tag) =	ssettag s2;
	_ =	strace s9  }
0x27: {  	s1 =	sld [smem:$0x3FAC]  }
0x28: {  	s2 =	sld [smem:$0x3FAD]  }
0x29: {  	s4 =	sld [smem:$0x3FAF]  }
0x2a: {  	p0 =	seq.s32 s5, $0x0;
	s5 =	sld [smem:$0x3FB0]  }
0x2b: {  	s6 =	sld [smem:$0x3FB1]  }
0x2c: {  	s7 =	sld [smem:$0x3FB2]  }
0x2d: {  	s3 =	simm.s32 $0x108;
	s8 =	sld [smem:$0x3FB3]  }
0x2e: {  	s3 =	simm.s32 @!p0 $0x1082;
	s9 =	sld [smem:$0x3FB4]  }
0x2f: {  	lr =	sadd.s32 s0, s3;
	s0 =	sld [smem:$0x3FAB]  }
0x30: {  	s3 =	sld [smem:$0x3FAE]  }
0x31: {  	[smem:$0x3FB7] =	sst s10  }
0x32: {  	s10 =	sld [smem:$0x3FB5];
	_ =	sdelay $0x3  }
0x33: {  	p0 =	seq.s32 s10, $0x1;
	s10 =	sld [smem:$0x3FB7];
	_ =	sdelay $0x3  }
0x34: {  	[smem:$0x3FB7] =	sst s10  }
0x35: {  	s10 =	sld [smem:$0x3FB6];
	_ =	sdelay $0x3  }
0x36: {  	p1 =	seq.s32 s10, $0x1;
	s10 =	sld [smem:$0x3FB7];
	_ =	sdelay $0x3  }
0x37: {  	[smem:$0x3FB7] =	sst s10  }
0x38: {  	s10 =	sld [smem:$0x3FB8]  }
0x39: {  	_ = 	snop;
	(pc) =	sbr.ind lr, $3  }
0x3a: {  	_ = 	snop  }
0x3b: {  	_ = 	snop  }
0x3c: {  	p2 =	seq.s32 s10, $0x1;
	s10 =	sld [smem:$0x3FB7]  }
0x3d: {  	_ =	shalt  }
0x3e: {  	_ =	shalt  }
0x3f: {  	_ =	shalt  }
0x40: {  	_ =	shalt  }
0x41: {  	_ =	shalt  }
0x42: {  	_ =	shalt  }
0x43: {  	_ =	shalt  }
0x44: {  	_ =	shalt  }
0x45: {  	_ =	shalt  }
0x46: {  	_ =	shalt  }
0x47: {  	_ =	shalt  }
0x48: {  	_ =	shalt  }
0x49: {  	_ =	shalt  }
0x4a: {  	_ =	shalt  }
0x4b: {  	_ =	shalt  }
0x4c: {  	_ =	shalt  }
0x4d: {  	_ =	shalt  }
0x4e: {  	_ =	shalt  }
0x4f: {  	_ =	shalt  }
0x50: {  	_ =	shalt  }
0x51: {  	_ =	shalt  }
0x52: {  	_ =	shalt  }
0x53: {  	_ =	shalt  }
0x54: {  	_ =	shalt  }
0x55: {  	_ =	shalt  }
0x56: {  	_ =	shalt  }
0x57: {  	_ =	shalt  }
0x58: {  	_ =	shalt  }
0x59: {  	_ =	shalt  }
0x5a: {  	_ =	shalt  }
0x5b: {  	_ =	shalt  }
0x5c: {  	_ =	shalt  }
0x5d: {  	_ =	shalt  }
0x5e: {  	_ =	shalt  }
0x5f: {  	_ =	shalt  }
0x60: {  	_ =	shalt  }
0x61: {  	_ =	shalt  }
0x62: {  	_ =	shalt  }
0x63: {  	_ =	shalt  }
0x64: {  	_ =	shalt  }
0x65: {  	_ =	shalt  }
0x66: {  	_ =	shalt  }
0x67: {  	_ =	shalt  }
0x68: {  	_ =	shalt  }
0x69: {  	_ =	shalt  }
0x6a: {  	_ =	shalt  }
0x6b: {  	_ =	shalt  }
0x6c: {  	_ =	shalt  }
0x6d: {  	_ =	shalt  }
0x6e: {  	_ =	shalt  }
0x6f: {  	_ =	shalt  }
0x70: {  	_ =	shalt  }
0x71: {  	_ =	shalt  }
0x72: {  	_ =	shalt  }
0x73: {  	_ =	shalt  }
0x74: {  	_ =	shalt  }
0x75: {  	_ =	shalt  }
0x76: {  	_ =	shalt  }
0x77: {  	_ =	shalt  }
0x78: {  	_ =	shalt  }
0x79: {  	_ =	shalt  }
0x7a: {  	_ =	shalt  }
0x7b: {  	_ =	shalt  }
0x7c: {  	_ =	shalt  }
0x7d: {  	_ =	shalt  }
0x7e: {  	_ =	shalt  }
0x7f: {  	_ =	shalt  }
0x80: {  	_ =	shalt  }
0x81: {  	_ =	shalt  }
0x82: {  	_ =	shalt  }
0x83: {  	_ =	shalt  }
0x84: {  	_ =	shalt  }
0x85: {  	_ =	shalt  }
0x86: {  	_ =	shalt  }
0x87: {  	_ =	shalt  }
.Lfunc_end0:
.L_simem_size_0:
called_computation_lowered:
.L_overlay_start_0:
0x88: {  	s2 =	sld [smem:$0x3FD9]  }
0x89: {  	s3 =	sld [smem:$0x3FFE];
	_ =	sdelay $0x1  }
0x8a: {  	s1 =	srdreg.scid  }
0x8b: {  	s0 =	sand.u32 $0x1, s1  }
0x8c: {  	s17 =	sshll.u32 s0, $0xA;
	s2 =	sadd.s32 s3, s2  }
0x8d: {  	s2 =	sadd.s32 s2, s17  }
0x8e: {  	[smem:$0x3FC3] =	sst s2  }
0x8f: {  	_ = 	snop  }
0x90: {  	s2 =	sld [smem:$0x3FC9];
	(tm) =	ssettm $0x1  }
0x91: {  	s18 =	sld [smem:$0x3FFB];
	_ =	sdelay $0x3  }
0x92: {  	_ =	strace s18  }
0x93: {  	s3 =	sld [smem:$0x3FFC];
	_ =	sdelay $0x3  }
0x94: {  	_ =	strace s3  }
0x95: {  	s3 =	sld [smem:$0x3FFD];
	_ =	sdelay $0x3  }
0x96: {  	_ =	strace s3  }
0x97: {  	_ =	strace $0x8FFFFFFF  }
0x98: {  	s19 =	sld [smem:$0x3FDB];
	_ =	sdelay $0x1  }
0x99: {  	s4 =	simm.s32 $_scs_section_size  }
0x9a: {  	s5 =	simm.s32 $_size__tile_overlayer_lowered;
	s6 =	simm.s32 $_tile_overlayer_lowered  }
0x9b: {  	s22 =	simm.s32 $0x1BFF;
	s21 =	sshll.u32 s6, $0x1;
	s3 =	sadd.s32 s4, s19  }
0x9c: {  	s7 =	simm.s32 $0x0;
	s20 =	sshll.u32 s5, $0x1;
	s5 =	sadd.s32 s21, s3  }
0x9d: {  	[timem:s7], [sflag:s22] =	dma.local [hbm:s5], s20  }
0x9e: {  	_ =	swait.ge [sflag:s22], s20  }
0x9f: {  	s4 =	ssub.s32 $0x0, s20;
	[sflag:s22] =	ssyncset.done $0x0  }
0xa0: {  	[sflag:s22] =	ssyncadd.s32 s4;
	_ =	sdelay $0x1  }
0xa1: {  	s23 =	simm.s32 $0x1B8B  }
0xa2: {  	_ =	swait.ge [sflag:s23], $0x1  }
0xa3: {  	[sflag:s23] =	ssyncset.done $0x0  }
0xa4: {  	s25 =	simm.s32 $0x1B8E;
	s24 =	sld [smem:$0x3FFE];
	[sflag:s23] =	ssyncadd.s32 $0xFFFFFFFF  }
0xa5: {  	s26 =	simm.s32 $execute0_lowered;
	[smem:$0x3FD2] =	sst s25  }
0xa6: {  	s5 =	sshll.u32 s26, $0x1;
	_ =	strace $0x80000046;
	[dreg:$0x1] =	wrdreg $0xFFFFFFFF  }
0xa7: {  	s28 =	simm.s32 $_size_execute0_lowered;
	s3 =	sadd.s32 s3, s5;
	[dreg:$0x0] =	wrdreg $0x0  }
0xa8: {  	s5 =	sshll.u32 s28, $0x1;
	[dreg:$0x2] =	wrdreg s3  }
0xa9: {  	[dreg:$0x3] =	wrdreg s5  }
0xaa: {  	[dreg:$0x4] =	wrdreg $0xC0  }
0xab: {  	_ =	task [dreg:s7], $0x5FFFF  }
0xac: {  	[dreg:$0x1] =	wrdreg $0xFFFFFFFF  }
0xad: {  	[dreg:$0x0] =	wrdreg $0x60  }
0xae: {  	[dreg:$0x2] =	wrdreg s2  }
0xaf: {  	[dreg:$0x3] =	wrdreg s24  }
0xb0: {  	[dreg:$0x4] =	wrdreg $0x9  }
0xb1: {  	_ =	task.clear_ibuf [dreg:s7], $0x5FFFF;
	_ =	strace $0x90000046  }
0xb2: {  	s29 =	simm.s32 $0x9;
	_ =	strace $0x80000048  }
0xb3: {  	_ =	swait.ge [sflag:s29], $0x1  }
0xb4: {  	[sflag:s29] =	ssyncadd.s32 $0xFFFFFFFF  }
0xb5: {  	_ =	strace $0x90000048  }
0xb6: {  	_ =	sfence  }
0xb7: {  	s30 =	sld [smem:$0x0];
	_ =	sdelay $0x2  }
0xb8: {  	s31 =	sshll.u32 s1, $0xD;
	s1 =	sshrl.u32 s1, $0x2  }
0xb9: {  	s3 =	sand.u32 $0x4000, s31;
	s1 =	sadd.s32 s1, s30  }
0xba: {  	s0 =	sor.u32 s3, s0;
	s1 =	sshll.u32 s1, $0x11  }
0xbb: {  	s0 =	sor.u32 s1, s0  }
0xbc: {  	s0 =	sadd.s32 $0x8F2B, s0  }
0xbd: {  	[sflag:s0] =	ssyncadd.remote.s32 $0x1  }
0xbe: {  	_ =	sfence.sel $0xFFFF  }
0xbf: {  	[dreg:$0x0] =	wrdreg $0xFFFFFFFF;
	(pc) =	sbr.abs _section_cstart, $3  }
0xc0: {  	[dreg:$0x1] =	wrdreg $0xFFFFFFFF  }
0xc1: {  	_ =	task.clear_ibuf [dreg:s7], $0x2FFFF;
	_ =	strace $0x9FFFFFFF  }
0xc2: {  	(tm) =	ssettm $0x7FFFFFFF  }
0xc3: {  	_ =	shalt  }
tec
execute0_lowered:
.L_overlay_start_1:
0x0: {  	(tag) =	ssettag $0x1  }
0x1: {  	s6 =	rddreg [dreg:$0x0]  }
0x2: {  	s0 =	rddreg [dreg:$0x1];
	s7 =	simm.s32 $0x0;
	s1 =	srdreg.scid  }
0x3: {  	s5 =	stileid.u32;
	[smem:$0x7FF] =	sst s7  }
0x4: {  	s1 =	sand.u32 $0x1, s1;
	s3 =	sshll.u32 s5, $0x7;
	s4 =	sshrl.u32 s5, $0x2  }
0x5: {  	s5 =	sshll.u32 s5, $0xB;
	_ =	strace $0x80000047;
	s2 =	sshll.u32 s1, $0x6  }
0x6: {  	s1 =	ssub.s32 $0x2, s1;
	s9 =	sshll.u32 s4, $0x18;
	s4 =	sshll.u32 s4, $0x4  }
0x7: {  	s5 =	sand.u32 $0x1800, s5;
	s0 =	sadd.s32 s2, s0;
	s2 =	sor.u32 s2, s3  }
0x8: {  	s29 =	sshrl.u32 s1, $0x1;
	[dreg:$0xe] =	wrdreg s9;
	s8 =	sor.u32 $0x1E00, s2  }
0x9: {  	s1 =	ssub.s32 s1, s29;
	s2 =	sor.u32 $0x1E20, s2;
	[dreg:$0xd] =	wrdreg s8  }
0xa: {  	s0 =	sadd.s32 s4, s0;
	s30 =	sshll.u32 s8, $0xB;
	[dreg:$0x10] =	wrdreg s2  }
0xb: {  	s0 =	sadd.s32 s5, s0;
	s31 =	smax.u32 s1, $0x1;
	s3 =	sor.u32 s9, s30  }
0xc: {  	s0 =	sadd.s32 $0x1000, s0;
	[dreg:$0x12] =	wrdreg s31;
	s3 =	sshrl.u32 s3, $0x3  }
0xd: {  	[dreg:$0x11] =	wrdreg s0;
	s3 =	sadd.s32 s6, s3  }
0xe: {  	v19 =	vimm.f32 $0.0e+00;
	[dreg:$0xf] =	wrdreg s3  }
.LBB2_1:
0xf: {  	[dreg:$0xc] =	wrdreg s7;
	s0 =	simm.s32 $0x40;
	s1 =	simm.s32 $0x0  }
.LBB2_2:
0x10: {  	p0 =	sne.s32 s0, $0x1FC0;
	[tilespmem:s1+$0x10000] =	vst v19;
	s1 =	smov.u32 s0;
	s0 =	sadd.s32 $0x40, s0  }
.Ltmp0:
0x11: {  	(pc) =	sbr.rel @p0 .LBB2_2-.Ltmp0, $2  }
0x12: {  	_ =	sdelay $0x2  }
0x13: {  	s1 =	sshra.s32 s1, $0x2  }
0x14: {  	s31 =	simm.s32 $0x0;
	s0 =	rddreg [dreg:$0xf]  }
0x15: {  	[tilespmem:s1+$0x10000] =	vst v19;
	p2 =	por $0x1, $0x1;
	p1 =	por $0x0, $0x0;
	s1 =	simm.s32 $0x0  }
0x16: {  	[tilespmem:s31], [sflag:$0x1] =	stream.linear.gather [hbm4b:s0+s31], $0x8000, $0x38;
	[tilespmem:$0x10800] =	vst v63  }
.LBB2_4:
0x17: {  	s0 =	rddreg [dreg:$0xd]  }
0x18: {  	[dreg:$0x13] =	wrdreg s1;
	s22 =	simm.s32 $0x1;
	s0 =	sor.u32 s0, s1  }
0x19: {  	s21 =	rddreg [dreg:$0xe];
	_ =	swait.ge [sflag:s22], $0x8000;
	s0 =	sshll.u32 s0, $0xB  }
0x1a: {  	[sflag:s22] =	ssyncset.done $0x0;
	s0 =	sadd.s32 s0, s21  }
0x1b: {  	[sflag:s22] =	ssyncadd.s32 $0xFFFF8000;
	s0 =	sadd.s32 $0x8000, s0  }
0x1c: {  	s13 =	simm.s32 $0x0;
	s1 =	rddreg [dreg:$0x0];
	s0 =	sshrl.u32 s0, $0x3  }
0x1d: {  	s23 =	simm.s32 $0x8000;
	s0 =	sadd.s32 s1, s0;
	s1 =	sand.u32 $0x3C00, s13  }
0x1e: {  	[tilespmem:s23], [sflag:$0x2] =	stream.linear.gather [hbm4b:s0+s13], $0x8000, $0x38;
	[tilespmem:$0x10800] =	vst v63  }
0x1f: {  	s0 =	sand.u32 $0x40, s13;
	s2 =	sor.u32 $0x4000, s1  }
0x20: {  	s3 =	sor.u32 $0x4080, s1;
	s12 =	sor.u32 s0, s2  }
0x21: {  	s11 =	sor.u32 $0x30, s0;
	s26 =	sor.u32 s0, s3;
	v43 =	vld [tilespmem:s12+$0x0]  }
0x22: {  	s4 =	sor.u32 s11, s1;
	v44 =	vld [tilespmem:s26+$0x0]  }
0x23: {  	v10 =	vld [tilespmem:s4+$0x0]  }
0x24: {  	v11 =	vld [tilespmem:s4+$0x80]  }
0x25: {  	v7 =	vld [tilespmem:s4+$0x100]  }
0x26: {  	v24 =	vld [tilespmem:s4+$0x180]  }
0x27: {  	v12 =	vld [tilespmem:s4+$0x200]  }
0x28: {  	v6 =	vld [tilespmem:s4+$0x280]  }
0x29: {  	v25 =	vld [tilespmem:s4+$0x300]  }
0x2a: {  	s5 =	sor.u32 s11, s2;
	v34 =	vld [tilespmem:s4+$0x380]  }
0x2b: {  	s6 =	sor.u32 s11, s3;
	s4 =	sor.u32 $0x4100, s1;
	v35 =	vld [tilespmem:s5+$0x0]  }
0x2c: {  	v36 =	vld [tilespmem:s6+$0x0];
	s7 =	sor.u32 s11, s4  }
0x2d: {  	s5 =	sor.u32 $0x4180, s1;
	s28 =	sor.u32 s0, s4;
	v37 =	vld [tilespmem:s7+$0x0]  }
0x2e: {  	s6 =	sor.u32 $0x4200, s1;
	s8 =	sor.u32 s11, s5;
	v0 =	vld [tilespmem:s28+$0x0]  }
0x2f: {  	s9 =	sor.u32 s11, s6;
	s7 =	sor.u32 $0x4280, s1;
	v38 =	vld [tilespmem:s8+$0x0]  }
0x30: {  	s8 =	sor.u32 $0x4300, s1;
	v39 =	vld [tilespmem:s9+$0x0];
	s10 =	sor.u32 s11, s7  }
0x31: {  	s9 =	sor.u32 $0x4380, s1;
	s24 =	sor.u32 s11, s8;
	v40 =	vld [tilespmem:s10+$0x0]  }
0x32: {  	s25 =	sor.u32 s11, s9;
	v41 =	vld [tilespmem:s24+$0x0]  }
0x33: {  	s29 =	sor.u32 s0, s5;
	v42 =	vld [tilespmem:s25+$0x0];
	[tilespmem:$0x1FF40] =	vst v0  }
0x34: {  	s30 =	sor.u32 s0, s6;
	v26 =	vld [tilespmem:s29+$0x0]  }
0x35: {  	s13 =	sand.u32 $0x780, s13;
	s31 =	sor.u32 s0, s7;
	v45 =	vld [tilespmem:s30+$0x0]  }
0x36: {  	s14 =	sor.u32 s0, s8;
	s10 =	sor.u32 $0x10000, s13;
	v46 =	vld [tilespmem:s31+$0x0]  }
0x37: {  	s21 =	sor.u32 s11, s10;
	v47 =	vld [tilespmem:s14+$0x0]  }
0x38: {  	s15 =	sor.u32 $0x10, s0;
	s16 =	sor.u32 s0, s9;
	v27 =	vld [tilespmem:s21+$0x0]  }
0x39: {  	s17 =	sor.u32 s15, s1;
	v48 =	vld [tilespmem:s16+$0x0]  }
0x3a: {  	v5 =	vld [tilespmem:s17+$0x0]  }
0x3b: {  	v28 =	vld [tilespmem:s17+$0x80]  }
0x3c: {  	v29 =	vld [tilespmem:s17+$0x100]  }
0x3d: {  	v49 =	vld [tilespmem:s17+$0x180]  }
0x3e: {  	v8 =	vld [tilespmem:s17+$0x200]  }
0x3f: {  	v30 =	vld [tilespmem:s17+$0x280]  }
0x40: {  	v31 =	vld [tilespmem:s17+$0x300]  }
0x41: {  	s18 =	sor.u32 s15, s2;
	v50 =	vld [tilespmem:s17+$0x380]  }
0x42: {  	s19 =	sor.u32 s15, s3;
	v51 =	vld [tilespmem:s18+$0x0]  }
0x43: {  	s20 =	sor.u32 s15, s4;
	v52 =	vld [tilespmem:s19+$0x0]  }
0x44: {  	s22 =	sor.u32 s15, s5;
	v53 =	vld [tilespmem:s20+$0x0]  }
0x45: {  	s26 =	sor.u32 $0x20, s0;
	s23 =	sor.u32 s15, s6;
	v54 =	vld [tilespmem:s22+$0x0]  }
0x46: {  	s28 =	sor.u32 s26, s1;
	v55 =	vld [tilespmem:s23+$0x0]  }
0x47: {  	s24 =	sor.u32 s15, s7;
	v0 =	vld [tilespmem:s28+$0x100]  }
0x48: {  	s25 =	sor.u32 s15, s8;
	v56 =	vld [tilespmem:s24+$0x0]  }
0x49: {  	v57 =	vld [tilespmem:s25+$0x0]  }
0x4a: {  	v20 =	vld [tilespmem:s28+$0x0]  }
0x4b: {  	s14 =	sor.u32 s15, s9;
	v32 =	vld [tilespmem:s28+$0x80]  }
0x4c: {  	v58 =	vld [tilespmem:s14+$0x0];
	[tilespmem:$0x1FF50] =	vst v0  }
0x4d: {  	v0 =	vld [tilespmem:s28+$0x200];
	_ =	sdelay $0x4  }
0x4e: {  	v21 =	vld [tilespmem:s28+$0x180];
	[tilespmem:$0x1FF60] =	vst v0  }
0x4f: {  	v22 =	vld [tilespmem:s28+$0x280]  }
0x50: {  	v23 =	vld [tilespmem:s28+$0x300]  }
0x51: {  	s2 =	sor.u32 s26, s2;
	v59 =	vld [tilespmem:s28+$0x380]  }
0x52: {  	s3 =	sor.u32 s26, s3;
	v60 =	vld [tilespmem:s2+$0x0]  }
0x53: {  	s29 =	sor.u32 s26, s4;
	v61 =	vld [tilespmem:s3+$0x0]  }
0x54: {  	s30 =	sor.u32 s26, s5;
	v62 =	vld [tilespmem:s29+$0x0]  }
0x55: {  	s31 =	sor.u32 s26, s6;
	v63 =	vld [tilespmem:s30+$0x0]  }
0x56: {  	s4 =	sor.u32 s26, s7;
	v0 =	vld [tilespmem:s31+$0x0]  }
0x57: {  	s5 =	sor.u32 s26, s8;
	v13 =	vld [tilespmem:s4+$0x0]  }
0x58: {  	s6 =	sor.u32 s26, s9;
	v14 =	vld [tilespmem:s5+$0x0]  }
0x59: {  	s0 =	sor.u32 s0, s1;
	v15 =	vld [tilespmem:s6+$0x0]  }
0x5a: {  	v1 =	vld [tilespmem:s0+$0x0]  }
0x5b: {  	v16 =	vld [tilespmem:s0+$0x80]  }
0x5c: {  	s23 =	sor.u32 s15, s10;
	v2 =	vld [tilespmem:s0+$0x100]  }
0x5d: {  	v9 =	vld [tilespmem:s23+$0x0]  }
0x5e: {  	v17 =	vld [tilespmem:s0+$0x180]  }
0x5f: {  	v33 =	vld [tilespmem:s0+$0x200]  }
0x60: {  	v3 =	vld [tilespmem:s0+$0x280]  }
0x61: {  	v4 =	vld [tilespmem:s0+$0x300]  }
0x62: {  	s22 =	sor.u32 s26, s10;
	v18 =	vld [tilespmem:s0+$0x380];
	[tilespmem:$0x1FF70] =	vst v9  }
0x63: {  	v9 =	vld [tilespmem:s22+$0x0];
	_ =	sdelay $0x4  }
0x64: {  	s10 =	simm.s32 $0x10000;
	[tilespmem:$0x1FF80] =	vst v9  }
0x65: {  	v9 =	vld [tilespmem:s10+$0x0];
	_ =	sdelay $0x1  }
0x66: {  	s6 =	simm.s32 $0x40  }
0x67: {  	s8 =	simm.s32 $0x200;
	s24 =	sand.u32 $0x40, s6  }
0x68: {  	s25 =	sand.u32 $0x3C00, s8;
	s15 =	sor.u32 $0x30, s24  }
0x69: {  	s7 =	sor.u32 s15, s25;
	[tilespmem:$0x1FFF0] =	vst v9  }
0x6a: {  	v9 =	vld [tilespmem:s7+$0x0];
	_ =	sdelay $0x4  }
0x6b: {  	[tilespmem:$0x1FF90] =	vst v9  }
0x6c: {  	v9 =	vld [tilespmem:s7+$0x80];
	_ =	sdelay $0x2  }
0x6d: {  	v44 =	vadd.f32 v44, v43  }
0x6e: {  	v10 =	vadd.f32 v11, v10;
	v7 =	vadd.f32 v24, v7  }
0x6f: {  	v6 =	vadd.f32 v6, v12;
	v12 =	vadd.f32 v34, v25;
	[tilespmem:$0x1FFA0] =	vst v9  }
0x70: {  	v25 =	vadd.f32 v36, v35;
	v5 =	vadd.f32 v28, v5;
	v9 =	vld [tilespmem:s7+$0x100]  }
0x71: {  	v49 =	vadd.f32 v49, v29;
	v8 =	vadd.f32 v30, v8  }
0x72: {  	v50 =	vadd.f32 v50, v31;
	v51 =	vadd.f32 v52, v51  }
0x73: {  	v52 =	vadd.f32 v54, v53;
	v54 =	vadd.f32 v58, v57;
	v57 =	vld [tilespmem:$0x1FF50]  }
0x74: {  	v34 =	vadd.f32 v38, v37;
	v7 =	vadd.f32 v7, v10;
	v58 =	vld [tilespmem:$0x1FF60]  }
0x75: {  	v5 =	vadd.f32 v49, v5;
	v8 =	vadd.f32 v50, v8;
	[tilespmem:$0x1FFB0] =	vst v9  }
0x76: {  	v6 =	vadd.f32 v12, v6;
	v40 =	vadd.f32 v40, v39;
	v9 =	vld [tilespmem:s7+$0x180]  }
0x77: {  	v41 =	vadd.f32 v42, v41;
	v5 =	vadd.f32 v8, v5  }
0x78: {  	v8 =	vadd.f32 v32, v20;
	v21 =	vadd.f32 v21, v57  }
0x79: {  	v22 =	vadd.f32 v22, v58;
	v23 =	vadd.f32 v59, v23  }
0x7a: {  	v60 =	vadd.f32 v61, v60;
	v61 =	vadd.f32 v63, v62  }
0x7b: {  	v0 =	vadd.f32 v13, v0;
	v13 =	vadd.f32 v15, v14;
	[tilespmem:$0x1FFC0] =	vst v9  }
0x7c: {  	v8 =	vadd.f32 v21, v8;
	v15 =	vadd.f32 v23, v22;
	v9 =	vld [tilespmem:s7+$0x200]  }
0x7d: {  	v43 =	vadd.f32 v61, v60;
	v0 =	vadd.f32 v13, v0  }
0x7e: {  	v12 =	vadd.f32 v34, v25;
	v42 =	vadd.f32 v41, v40  }
0x7f: {  	v8 =	vadd.f32 v15, v8;
	v0 =	vadd.f32 v0, v43  }
0x80: {  	v6 =	vadd.f32 v6, v7  }
0x81: {  	v7 =	vadd.f32 v42, v12;
	v0 =	vadd.f32 v0, v8;
	v8 =	vld [tilespmem:$0x1FF70];
	[tilespmem:$0x1FFD0] =	vst v9  }
0x82: {  	v46 =	vadd.f32 v46, v45;
	v9 =	vld [tilespmem:s7+$0x280]  }
0x83: {  	v6 =	vadd.f32 v7, v6;
	v7 =	vadd.f32 v48, v47;
	v60 =	vld [tilespmem:$0x1FFF0]  }
0x84: {  	v4 =	vadd.f32 v18, v4;
	v18 =	vld [tilespmem:$0x1FFA0]  }
0x85: {  	v7 =	vadd.f32 v7, v46;
	v46 =	vld [tilespmem:$0x1FFC0]  }
0x86: {  	v48 =	vld [tilespmem:$0x1FFD0]  }
0x87: {  	[tilespmem:$0x1FFE0] =	vst v9;
	v9 =	vld [tilespmem:$0x1FF40]  }
0x88: {  	s26 =	sor.u32 $0x4000, s25;
	v11 =	vld [tilespmem:s7+$0x300]  }
0x89: {  	s28 =	sor.u32 $0x4080, s25;
	s9 =	sor.u32 s15, s26;
	v24 =	vld [tilespmem:s7+$0x380]  }
0x8a: {  	s30 =	sor.u32 $0x4180, s25;
	s11 =	sor.u32 s15, s28;
	v35 =	vld [tilespmem:s9+$0x0]  }
0x8b: {  	s31 =	sor.u32 $0x4200, s25;
	s13 =	sor.u32 s15, s30;
	v38 =	vld [tilespmem:s11+$0x0]  }
0x8c: {  	s0 =	sor.u32 $0x4280, s25;
	s14 =	sor.u32 s15, s31;
	v34 =	vld [tilespmem:s13+$0x0]  }
0x8d: {  	s16 =	sor.u32 s15, s0;
	v37 =	vld [tilespmem:s14+$0x0]  }
0x8e: {  	s19 =	sor.u32 s24, s26;
	v12 =	vld [tilespmem:s16+$0x0]  }
0x8f: {  	s20 =	sor.u32 s24, s28;
	v36 =	vld [tilespmem:s19+$0x0]  }
0x90: {  	s4 =	sor.u32 s24, s30;
	v25 =	vld [tilespmem:s20+$0x0]  }
0x91: {  	s5 =	sor.u32 s24, s31;
	v30 =	vld [tilespmem:s4+$0x0]  }
0x92: {  	s2 =	sor.u32 $0x4300, s25;
	v41 =	vld [tilespmem:s5+$0x0]  }
0x93: {  	s7 =	sor.u32 $0x4100, s25;
	s11 =	sor.u32 s24, s2;
	v49 =	vld [tilespmem:$0x1FFE0]  }
0x94: {  	v6 =	vadd.f32 v6, v27;
	s13 =	sor.u32 $0x4380, s25;
	s12 =	sor.u32 s15, s7;
	v27 =	vld [tilespmem:s11+$0x0]  }
0x95: {  	s18 =	sor.u32 s15, s13;
	v10 =	vld [tilespmem:s12+$0x0]  }
0x96: {  	s14 =	sor.u32 $0x10, s24;
	s29 =	sor.u32 s24, s7;
	v39 =	vld [tilespmem:s18+$0x0]  }
0x97: {  	s16 =	sor.u32 s14, s25;
	v28 =	vld [tilespmem:s29+$0x0]  }
0x98: {  	v20 =	vld [tilespmem:s16+$0x0]  }
0x99: {  	v31 =	vld [tilespmem:s16+$0x80]  }
0x9a: {  	v32 =	vld [tilespmem:s16+$0x100]  }
0x9b: {  	v62 =	vld [tilespmem:s16+$0x180]  }
0x9c: {  	v14 =	vld [tilespmem:s16+$0x200]  }
0x9d: {  	v53 =	vadd.f32 v56, v55;
	v1 =	vadd.f32 v16, v1;
	v63 =	vld [tilespmem:s16+$0x280]  }
0x9e: {  	v2 =	vadd.f32 v17, v2;
	v3 =	vadd.f32 v3, v33;
	v13 =	vld [tilespmem:s16+$0x300]  }
0x9f: {  	v55 =	vadd.f32 v52, v51;
	v56 =	vadd.f32 v54, v53;
	s19 =	sor.u32 s14, s7;
	v15 =	vld [tilespmem:s16+$0x380]  }
0xa0: {  	v1 =	vadd.f32 v2, v1;
	v3 =	vadd.f32 v4, v3;
	s20 =	sor.u32 s14, s30;
	v2 =	vld [tilespmem:s19+$0x0]  }
0xa1: {  	v29 =	vadd.f32 v56, v55;
	s4 =	sor.u32 s14, s0;
	v4 =	vld [tilespmem:s20+$0x0]  }
0xa2: {  	v1 =	vadd.f32 v3, v1;
	s5 =	sor.u32 s14, s2;
	v3 =	vld [tilespmem:s4+$0x0];
	v9 =	vadd.f32 v26, v9  }
0xa3: {  	s11 =	sor.u32 s14, s13;
	v47 =	vld [tilespmem:s5+$0x0]  }
0xa4: {  	v5 =	vadd.f32 v29, v5;
	s12 =	sor.u32 s24, s13;
	v50 =	vld [tilespmem:s11+$0x0];
	v9 =	vadd.f32 v9, v44  }
0xa5: {  	v40 =	vld [tilespmem:s12+$0x0]  }
0xa6: {  	s18 =	sor.u32 s14, s28;
	v7 =	vadd.f32 v7, v9;
	v9 =	vadd.f32 v5, v8;
	v8 =	vld [tilespmem:$0x1FF80]  }
0xa7: {  	s17 =	sor.u32 s15, s2;
	v17 =	vld [tilespmem:s18+$0x0]  }
0xa8: {  	v26 =	vld [tilespmem:s17+$0x0];
	s17 =	sor.u32 s14, s26  }
0xa9: {  	s9 =	sor.u32 s24, s0;
	v16 =	vld [tilespmem:s17+$0x0]  }
0xaa: {  	s16 =	sor.u32 $0x20, s24;
	v23 =	vadd.f32 v49, v48;
	v44 =	vld [tilespmem:s9+$0x0]  }
0xab: {  	v11 =	vadd.f32 v24, v11;
	s17 =	sor.u32 s16, s25;
	v0 =	vadd.f32 v0, v8;
	v8 =	vld [tilespmem:$0x1FF90]  }
0xac: {  	v51 =	vadd.f32 v38, v35;
	v12 =	vadd.f32 v12, v37;
	v53 =	vld [tilespmem:s17+$0x0]  }
0xad: {  	v54 =	vld [tilespmem:s17+$0x100];
	v10 =	vadd.f32 v34, v10;
	v11 =	vadd.f32 v11, v23  }
0xae: {  	v55 =	vld [tilespmem:s17+$0x180];
	v20 =	vadd.f32 v31, v20;
	v61 =	vadd.f32 v62, v32  }
0xaf: {  	v57 =	vld [tilespmem:s17+$0x280];
	v14 =	vadd.f32 v63, v14;
	v13 =	vadd.f32 v15, v13  }
0xb0: {  	v2 =	vadd.f32 v4, v2;
	v8 =	vadd.f32 v18, v8;
	v18 =	vld [tilespmem:$0x1FFB0]  }
0xb1: {  	v58 =	vld [tilespmem:s17+$0x300];
	v4 =	vadd.f32 v50, v47;
	v26 =	vadd.f32 v39, v26  }
0xb2: {  	s29 =	sor.u32 s14, s31;
	v59 =	vld [tilespmem:s17+$0x380];
	v10 =	vadd.f32 v10, v51;
	v20 =	vadd.f32 v61, v20  }
0xb3: {  	s20 =	sor.u32 s16, s7;
	s9 =	sand.u32 $0x780, s6;
	v5 =	vld [tilespmem:s29+$0x0];
	v13 =	vadd.f32 v13, v14;
	v1 =	vadd.f32 v7, v1  }
0xb4: {  	s18 =	sor.u32 s16, s26;
	s26 =	sor.u32 s16, s30;
	s12 =	sor.u32 $0x10000, s9;
	v62 =	vld [tilespmem:s20+$0x0];
	v7 =	vadd.f32 v25, v36;
	v16 =	vadd.f32 v17, v16  }
0xb5: {  	v15 =	vld [tilespmem:s26+$0x0];
	s4 =	sor.u32 s15, s12;
	v12 =	vadd.f32 v26, v12;
	v18 =	vadd.f32 v46, v18  }
0xb6: {  	s0 =	sor.u32 s16, s0;
	v52 =	vld [tilespmem:s4+$0x0];
	v56 =	vadd.f32 v44, v41;
	v2 =	vadd.f32 v2, v16  }
0xb7: {  	v14 =	vld [tilespmem:s0+$0x0];
	v10 =	vadd.f32 v12, v10;
	v8 =	vadd.f32 v18, v8  }
0xb8: {  	v12 =	vadd.f32 v30, v28;
	v3 =	vadd.f32 v3, v5;
	v18 =	vld [tilespmem:s17+$0x80]  }
0xb9: {  	s29 =	sor.u32 s16, s2;
	v30 =	vadd.f32 v1, v60;
	v8 =	vadd.f32 v11, v8;
	v11 =	vld [tilespmem:s17+$0x200]  }
0xba: {  	s19 =	sor.u32 s16, s28;
	s28 =	sor.u32 s16, s31;
	v63 =	vld [tilespmem:s29+$0x0];
	v5 =	vadd.f32 v55, v54;
	v3 =	vadd.f32 v4, v3  }
0xbb: {  	s31 =	sor.u32 s24, s25;
	v17 =	vld [tilespmem:s28+$0x0];
	v8 =	vadd.f32 v10, v8;
	v10 =	vadd.f32 v40, v27  }
0xbc: {  	v16 =	vld [tilespmem:s31+$0x0];
	v1 =	vadd.f32 v12, v7;
	v2 =	vadd.f32 v3, v2  }
0xbd: {  	v7 =	vld [tilespmem:s18+$0x0];
	v12 =	vadd.f32 v8, v52;
	v8 =	vadd.f32 v10, v56  }
0xbe: {  	s30 =	sor.u32 s16, s13;
	v4 =	vadd.f32 v18, v53;
	v10 =	vld [tilespmem:s19+$0x0];
	v3 =	vadd.f32 v57, v11  }
0xbf: {  	v1 =	vadd.f32 v8, v1;
	v8 =	vadd.f32 v13, v20;
	v13 =	vld [tilespmem:s30+$0x0]  }
0xc0: {  	v11 =	vld [tilespmem:s31+$0x80];
	v18 =	vadd.f32 v5, v4;
	v4 =	vadd.f32 v59, v58  }
0xc1: {  	v5 =	vld [tilespmem:s31+$0x100]  }
0xc2: {  	[tilespmem:s23+$0x0] =	vst v9;
	v9 =	vadd.f32 v15, v62;
	v3 =	vadd.f32 v4, v3;
	v4 =	vld [tilespmem:s31+$0x200]  }
0xc3: {  	[tilespmem:s22+$0x0] =	vst v0;
	v0 =	vadd.f32 v14, v17;
	v2 =	vadd.f32 v2, v8;
	v8 =	vld [tilespmem:s31+$0x180]  }
0xc4: {  	[tilespmem:s21+$0x0] =	vst v6;
	v6 =	vadd.f32 v10, v7;
	v7 =	vld [tilespmem:s31+$0x280];
	v13 =	vadd.f32 v13, v63  }
0xc5: {  	p0 =	por p2, p2;
	s25 =	sor.u32 s14, s12;
	[tilespmem:s10+$0x0] =	vst v30;
	v3 =	vadd.f32 v3, v18;
	v10 =	vadd.f32 v11, v16;
	v11 =	vld [tilespmem:s31+$0x380]  }
0xc6: {  	s24 =	sor.u32 s16, s12;
	s21 =	simm.s32 $0x4;
	s22 =	simm.s32 $0x80;
	[tilespmem:s4+$0x0] =	vst v12;
	v9 =	vadd.f32 v9, v6;
	v6 =	vld [tilespmem:s31+$0x300];
	v12 =	vadd.f32 v13, v0  }
.LBB2_5:
0xc7: {  	_ =	sdelay $0x1  }
0xc8: {  	s1 =	sand.u32 $0x40, s22;
	s8 =	sadd.s32 $0x200, s8;
	v0 =	vadd.f32 v8, v5;
	v5 =	vld [tilespmem:s25+$0x0]  }
0xc9: {  	s10 =	sadd.s32 $0x40, s10;
	s3 =	sand.u32 $0x3C00, s8;
	s2 =	sor.u32 $0x30, s1;
	v8 =	vadd.f32 v12, v9;
	v9 =	vld [tilespmem:s24+$0x0]  }
0xca: {  	s4 =	sor.u32 s2, s3;
	s17 =	sor.u32 $0x4180, s3;
	v4 =	vadd.f32 v7, v4;
	v7 =	vld [tilespmem:s10+$0x0]  }
0xcb: {  	s31 =	sor.u32 $0x4280, s3;
	s28 =	sor.u32 s2, s17;
	v6 =	vadd.f32 v11, v6;
	v11 =	vld [tilespmem:s4+$0x100]  }
0xcc: {  	s7 =	sor.u32 s2, s31;
	v12 =	vld [tilespmem:s28+$0x0]  }
0xcd: {  	v13 =	vld [tilespmem:s7+$0x0]  }
0xce: {  	v0 =	vadd.f32 v0, v10;
	v10 =	vld [tilespmem:s4+$0x0]  }
0xcf: {  	v3 =	vadd.f32 v8, v3;
	v8 =	vld [tilespmem:s4+$0x80];
	v4 =	vadd.f32 v6, v4  }
0xd0: {  	v6 =	vld [tilespmem:s4+$0x200]  }
0xd1: {  	s9 =	sor.u32 $0x4080, s3;
	v0 =	vadd.f32 v4, v0;
	v4 =	vld [tilespmem:s4+$0x380]  }
0xd2: {  	[dreg:$0x3] =	wrdreg s8;
	s8 =	sor.u32 $0x4000, s3;
	s19 =	sor.u32 s2, s9;
	v2 =	vadd.f32 v2, v5;
	v5 =	vld [tilespmem:s4+$0x180]  }
0xd3: {  	s18 =	sor.u32 s2, s8;
	v3 =	vadd.f32 v3, v9;
	v9 =	vld [tilespmem:s19+$0x0]  }
0xd4: {  	v0 =	vadd.f32 v1, v0;
	v1 =	vld [tilespmem:s18+$0x0]  }
0xd5: {  	s15 =	sor.u32 $0x4100, s3;
	[tilespmem:s25+$0x0] =	vst v2;
	v2 =	vld [tilespmem:s4+$0x280]  }
0xd6: {  	s20 =	sor.u32 s2, s15;
	s18 =	sor.u32 $0x4300, s3;
	[tilespmem:s24+$0x0] =	vst v3;
	v3 =	vld [tilespmem:s4+$0x300]  }
0xd7: {  	s25 =	sor.u32 $0x4200, s3;
	s11 =	sor.u32 s2, s18;
	v0 =	vadd.f32 v0, v7;
	v7 =	vld [tilespmem:s20+$0x0]  }
0xd8: {  	s29 =	sor.u32 s2, s25;
	s20 =	sor.u32 $0x4380, s3;
	v14 =	vld [tilespmem:s11+$0x0]  }
0xd9: {  	s12 =	sor.u32 s2, s20;
	[tilespmem:s10+$0x0] =	vst v0;
	v0 =	vld [tilespmem:s29+$0x0]  }
0xda: {  	s6 =	sor.u32 $0x10, s1;
	s5 =	sor.u32 s1, s8;
	v15 =	vld [tilespmem:s12+$0x0]  }
0xdb: {  	s13 =	sor.u32 $0x20, s1;
	s23 =	sor.u32 s1, s3;
	s14 =	sor.u32 s1, s9;
	v16 =	vld [tilespmem:s5+$0x0]  }
0xdc: {  	s16 =	sor.u32 s1, s15;
	s28 =	sor.u32 s1, s31;
	s24 =	sor.u32 s1, s17;
	v17 =	vld [tilespmem:s14+$0x0]  }
0xdd: {  	s19 =	sor.u32 s1, s18;
	v8 =	vadd.f32 v8, v10;
	s30 =	sor.u32 s1, s25;
	s11 =	sor.u32 s6, s8;
	v10 =	vld [tilespmem:s16+$0x0]  }
0xde: {  	s4 =	sor.u32 s6, s25;
	s29 =	sor.u32 s1, s20;
	s1 =	sor.u32 s6, s9;
	v5 =	vadd.f32 v5, v11;
	v11 =	vld [tilespmem:s28+$0x0]  }
0xdf: {  	s12 =	sor.u32 s6, s15;
	s16 =	sor.u32 s13, s8;
	s8 =	sor.u32 s13, s9;
	v2 =	vadd.f32 v2, v6;
	v3 =	vadd.f32 v4, v3;
	v4 =	vld [tilespmem:s24+$0x0]  }
0xe0: {  	s9 =	sor.u32 s13, s15;
	s15 =	sor.u32 s13, s25;
	s25 =	sand.u32 $0x780, s22;
	v6 =	vadd.f32 v12, v7;
	v7 =	vld [tilespmem:s30+$0x0]  }
0xe1: {  	v1 =	vadd.f32 v9, v1;
	s28 =	sor.u32 $0x10000, s25;
	v12 =	vld [tilespmem:s23+$0x0];
	v2 =	vadd.f32 v3, v2  }
0xe2: {  	s2 =	sor.u32 s2, s28;
	v3 =	vld [tilespmem:s19+$0x0];
	v0 =	vadd.f32 v13, v0;
	v9 =	vadd.f32 v15, v14  }
0xe3: {  	v5 =	vadd.f32 v5, v8;
	v8 =	vld [tilespmem:s2+$0x0]  }
0xe4: {  	s0 =	sor.u32 s6, s3;
	v1 =	vadd.f32 v6, v1;
	v0 =	vadd.f32 v9, v0;
	v9 =	vld [tilespmem:s29+$0x0]  }
0xe5: {  	v2 =	vadd.f32 v2, v5;
	v5 =	vadd.f32 v11, v7;
	v7 =	vld [tilespmem:s0+$0x80]  }
0xe6: {  	v11 =	vld [tilespmem:s9+$0x0]  }
0xe7: {  	s26 =	sor.u32 s13, s3;
	s3 =	sor.u32 s6, s18;
	v0 =	vadd.f32 v0, v1;
	v1 =	vadd.f32 v4, v10;
	v4 =	vld [tilespmem:s0+$0x0]  }
0xe8: {  	v6 =	vadd.f32 v17, v16;
	v10 =	vld [tilespmem:s3+$0x0]  }
0xe9: {  	v0 =	vadd.f32 v0, v2;
	v2 =	vld [tilespmem:s0+$0x100]  }
0xea: {  	v1 =	vadd.f32 v1, v6;
	v6 =	vld [tilespmem:s0+$0x180]  }
0xeb: {  	v3 =	vadd.f32 v9, v3;
	v9 =	vld [tilespmem:s0+$0x280];
	v0 =	vadd.f32 v0, v8  }
0xec: {  	v8 =	vld [tilespmem:s0+$0x200]  }
0xed: {  	[tilespmem:s2+$0x0] =	vst v0;
	v0 =	vadd.f32 v3, v5;
	v3 =	vld [tilespmem:s0+$0x300]  }
0xee: {  	v5 =	vld [tilespmem:s0+$0x380]  }
0xef: {  	v2 =	vadd.f32 v6, v2;
	v6 =	vld [tilespmem:s1+$0x0]  }
0xf0: {  	v4 =	vadd.f32 v7, v4;
	v1 =	vadd.f32 v0, v1;
	v0 =	vld [tilespmem:s11+$0x0]  }
0xf1: {  	s7 =	sor.u32 s6, s17;
	v7 =	vld [tilespmem:s12+$0x0]  }
0xf2: {  	v2 =	vadd.f32 v2, v4;
	v4 =	vld [tilespmem:s7+$0x0]  }
0xf3: {  	s5 =	sor.u32 s6, s31;
	v8 =	vadd.f32 v9, v8;
	v9 =	vld [tilespmem:s4+$0x0]  }
0xf4: {  	s14 =	sor.u32 s6, s20;
	v3 =	vadd.f32 v5, v3;
	v5 =	vld [tilespmem:s5+$0x0]  }
0xf5: {  	v0 =	vadd.f32 v6, v0;
	v6 =	vld [tilespmem:s14+$0x0]  }
0xf6: {  	v3 =	vadd.f32 v3, v8;
	v8 =	vld [tilespmem:s26+$0x180]  }
0xf7: {  	v4 =	vadd.f32 v4, v7;
	v7 =	vld [tilespmem:s26+$0x80]  }
0xf8: {  	v2 =	vadd.f32 v3, v2;
	v3 =	vld [tilespmem:s26+$0x0]  }
0xf9: {  	v0 =	vadd.f32 v4, v0;
	v4 =	vld [tilespmem:s26+$0x100]  }
0xfa: {  	v5 =	vadd.f32 v5, v9;
	v9 =	vld [tilespmem:s26+$0x200];
	v6 =	vadd.f32 v6, v10  }
0xfb: {  	v10 =	vld [tilespmem:s26+$0x280]  }
0xfc: {  	v5 =	vadd.f32 v6, v5;
	v6 =	vld [tilespmem:s26+$0x300]  }
0xfd: {  	v3 =	vadd.f32 v7, v3;
	v7 =	vld [tilespmem:s26+$0x380]  }
0xfe: {  	v4 =	vadd.f32 v8, v4;
	v8 =	vld [tilespmem:s8+$0x0];
	v0 =	vadd.f32 v5, v0  }
0xff: {  	s17 =	sor.u32 s13, s17;
	v5 =	vld [tilespmem:s16+$0x0]  }
0x100: {  	v2 =	vadd.f32 v0, v2;
	v0 =	vld [tilespmem:s17+$0x0]  }
0x101: {  	s31 =	sor.u32 s13, s31;
	v3 =	vadd.f32 v4, v3;
	v4 =	vld [tilespmem:s15+$0x0]  }
0x102: {  	s30 =	sor.u32 s13, s18;
	v9 =	vadd.f32 v10, v9;
	v6 =	vadd.f32 v7, v6;
	v7 =	vld [tilespmem:s31+$0x0]  }
0x103: {  	s20 =	sor.u32 s13, s20;
	v10 =	vld [tilespmem:s30+$0x0]  }
0x104: {  	v8 =	vadd.f32 v8, v5;
	v5 =	vadd.f32 v6, v9;
	v6 =	vld [tilespmem:s20+$0x0]  }
0x105: {  	s21 =	sadd.s32 $0x4, s21;
	v0 =	vadd.f32 v0, v11;
	v11 =	vld [tilespmem:s23+$0x80]  }
0x106: {  	p2 =	slt.u32 s21, $0x7C;
	v3 =	vadd.f32 v5, v3;
	v5 =	vld [tilespmem:s23+$0x100]  }
.Ltmp1:
0x107: {  	v13 =	vadd.f32 v7, v4;
	v4 =	vld [tilespmem:s23+$0x200];
	(pc) =	sbr.rel @p2 .LBB2_5-.Ltmp1, $4  }
0x108: {  	v7 =	vld [tilespmem:s23+$0x280]  }
0x109: {  	v9 =	vadd.f32 v0, v8;
	v8 =	vld [tilespmem:s23+$0x180];
	v0 =	vadd.f32 v6, v10  }
0x10a: {  	s22 =	sadd.s32 $0x40, s22;
	v6 =	vld [tilespmem:s23+$0x300]  }
0x10b: {  	s25 =	sor.u32 s6, s28;
	s24 =	sor.u32 s13, s28;
	s8 =	rddreg [dreg:$0x3];
	v10 =	vadd.f32 v11, v12;
	v12 =	vadd.f32 v0, v13;
	v11 =	vld [tilespmem:s23+$0x380]  }
0x10c: {  	_ =	sdelay $0x2  }
0x10d: {  	v0 =	vadd.f32 v8, v5  }
0x10e: {  	v4 =	vadd.f32 v7, v4;
	v5 =	vadd.f32 v11, v6;
	v6 =	vld [tilespmem:s25+$0x0]  }
0x10f: {  	v7 =	vld [tilespmem:s24+$0x0];
	v0 =	vadd.f32 v0, v10  }
0x110: {  	s0 =	sadd.s32 $0x40, s10;
	v4 =	vadd.f32 v5, v4;
	v5 =	vadd.f32 v12, v9  }
0x111: {  	v8 =	vld [tilespmem:s0+$0x0]  }
0x112: {  	v0 =	vadd.f32 v4, v0;
	v3 =	vadd.f32 v5, v3  }
0x113: {  	v2 =	vadd.f32 v2, v6  }
0x114: {  	v0 =	vadd.f32 v1, v0;
	v1 =	vadd.f32 v3, v7  }
0x115: {  	[tilespmem:s25+$0x0] =	vst v2  }
0x116: {  	v0 =	vadd.f32 v0, v8;
	[tilespmem:s24+$0x0] =	vst v1  }
0x117: {  	s1 =	rddreg [dreg:$0x10]  }
0x118: {  	s9 =	simm.s32 $0x2;
	s3 =	simm.s32 $0x0;
	s2 =	rddreg [dreg:$0x13];
	[tilespmem:s0+$0x0] =	vst v0  }
0x119: {  	s10 =	sand.u32 $0x3C00, s3;
	s1 =	sadd.s32 @!p1 s2, s1;
	_ =	swait.ge [sflag:s9], $0x8000  }
0x11a: {  	s0 =	sshll.u32 @!p1 s1, $0xB;
	s1 =	rddreg [dreg:$0xe];
	[sflag:s9] =	ssyncset.done $0x0  }
0x11b: {  	s8 =	sor.u32 $0x8000, s10;
	s0 =	sadd.s32 @!p1 s1, s0;
	[sflag:s9] =	ssyncadd.s32 $0xFFFF8000  }
0x11c: {  	s9 =	sand.u32 $0x40, s3;
	s0 =	sshrl.u32 @!p1 s0, $0x3;
	s1 =	rddreg [dreg:$0x0]  }
0x11d: {  	s5 =	sor.u32 s9, s8;
	s0 =	sadd.s32 @!p1 s1, s0;
	s1 =	simm.s32 @!p1 $0x0  }
0x11e: {  	[tilespmem:s1], [sflag:$0x1] =	stream.linear.gather @!p1 [hbm4b:s0+s1], $0x8000, $0x38;
	[tilespmem:$0x10800] =	vst v63  }
0x11f: {  	v16 =	vld [tilespmem:s5+$0x0]  }
0x120: {  	v17 =	vld [tilespmem:s5+$0x80]  }
0x121: {  	v18 =	vld [tilespmem:s5+$0x100]  }
0x122: {  	v20 =	vld [tilespmem:s5+$0x180]  }
0x123: {  	v21 =	vld [tilespmem:s5+$0x200]  }
0x124: {  	v22 =	vld [tilespmem:s5+$0x280]  }
0x125: {  	s20 =	sor.u32 $0xC000, s10;
	v23 =	vld [tilespmem:s5+$0x300]  }
0x126: {  	s19 =	sor.u32 $0xC080, s10;
	s23 =	sor.u32 s9, s20;
	v24 =	vld [tilespmem:s5+$0x380]  }
0x127: {  	s14 =	sor.u32 $0xC100, s10;
	s24 =	sor.u32 s9, s19;
	v25 =	vld [tilespmem:s23+$0x0]  }
0x128: {  	s15 =	sor.u32 $0xC180, s10;
	s25 =	sor.u32 s9, s14;
	v26 =	vld [tilespmem:s24+$0x0]  }
0x129: {  	s6 =	sor.u32 $0xC280, s10;
	s26 =	sor.u32 s9, s15;
	v27 =	vld [tilespmem:s25+$0x0]  }
0x12a: {  	s2 =	sor.u32 $0xC300, s10;
	s29 =	sor.u32 s9, s6;
	v28 =	vld [tilespmem:s26+$0x0]  }
0x12b: {  	s30 =	sor.u32 s9, s2;
	s1 =	sor.u32 $0x30, s9;
	v30 =	vld [tilespmem:s29+$0x0]  }
0x12c: {  	s11 =	sor.u32 s1, s8;
	v31 =	vld [tilespmem:s30+$0x0]  }
0x12d: {  	v0 =	vld [tilespmem:s11+$0x0]  }
0x12e: {  	v1 =	vld [tilespmem:s11+$0x80]  }
0x12f: {  	v2 =	vld [tilespmem:s11+$0x100]  }
0x130: {  	v3 =	vld [tilespmem:s11+$0x180]  }
0x131: {  	v4 =	vld [tilespmem:s11+$0x200]  }
0x132: {  	v5 =	vld [tilespmem:s11+$0x280]  }
0x133: {  	v6 =	vld [tilespmem:s11+$0x300]  }
0x134: {  	s12 =	sor.u32 s1, s20;
	v7 =	vld [tilespmem:s11+$0x380]  }
0x135: {  	s13 =	sor.u32 s1, s19;
	v8 =	vld [tilespmem:s12+$0x0]  }
0x136: {  	s16 =	sor.u32 s1, s14;
	v9 =	vld [tilespmem:s13+$0x0]  }
0x137: {  	s17 =	sor.u32 s1, s15;
	v10 =	vld [tilespmem:s16+$0x0]  }
0x138: {  	s18 =	sor.u32 s1, s6;
	v11 =	vld [tilespmem:s17+$0x0]  }
0x139: {  	s0 =	sor.u32 $0xC380, s10;
	s21 =	sor.u32 s1, s2;
	v13 =	vld [tilespmem:s18+$0x0]  }
0x13a: {  	s22 =	sor.u32 s1, s0;
	v14 =	vld [tilespmem:s21+$0x0]  }
0x13b: {  	s31 =	sor.u32 s9, s0;
	s23 =	sor.u32 $0x20, s9;
	v15 =	vld [tilespmem:s22+$0x0]  }
0x13c: {  	v32 =	vld [tilespmem:s31+$0x0];
	s24 =	sor.u32 s23, s8  }
0x13d: {  	v54 =	vld [tilespmem:s24+$0x0]  }
0x13e: {  	v55 =	vld [tilespmem:s24+$0x80]  }
0x13f: {  	v58 =	vld [tilespmem:s24+$0x180]  }
0x140: {  	s13 =	sor.u32 $0xC200, s10;
	v59 =	vld [tilespmem:s24+$0x200]  }
0x141: {  	s4 =	sor.u32 s1, s13;
	v61 =	vld [tilespmem:s24+$0x380]  }
0x142: {  	s16 =	sor.u32 $0x10, s9;
	s28 =	sor.u32 s9, s13;
	v49 =	vld [tilespmem:s4+$0x0]  }
0x143: {  	s5 =	sor.u32 s16, s8;
	v29 =	vld [tilespmem:s28+$0x0]  }
0x144: {  	v33 =	vld [tilespmem:s5+$0x0]  }
0x145: {  	v34 =	vld [tilespmem:s5+$0x80]  }
0x146: {  	v37 =	vld [tilespmem:s5+$0x200];
	v51 =	vadd.f32 v22, v21  }
0x147: {  	v38 =	vld [tilespmem:s5+$0x280];
	v53 =	vadd.f32 v26, v25;
	v0 =	vadd.f32 v1, v0  }
0x148: {  	v1 =	vadd.f32 v3, v2;
	v2 =	vld [tilespmem:s5+$0x300];
	v3 =	vadd.f32 v5, v4  }
0x149: {  	s7 =	sor.u32 s16, s20;
	v4 =	vadd.f32 v7, v6;
	v5 =	vld [tilespmem:s5+$0x380];
	v6 =	vadd.f32 v9, v8  }
0x14a: {  	s10 =	sor.u32 s16, s19;
	v7 =	vadd.f32 v11, v10;
	v8 =	vld [tilespmem:s7+$0x0];
	v10 =	vadd.f32 v15, v14  }
0x14b: {  	s3 =	sand.u32 $0x780, s3;
	v11 =	vld [tilespmem:s10+$0x0];
	v9 =	vadd.f32 v13, v49;
	v0 =	vadd.f32 v1, v0  }
0x14c: {  	s3 =	sor.u32 $0x10000, s3;
	v35 =	vld [tilespmem:s5+$0x100];
	v1 =	vadd.f32 v4, v3;
	v4 =	vadd.f32 v7, v6  }
0x14d: {  	s1 =	sor.u32 s1, s3;
	v36 =	vld [tilespmem:s5+$0x180];
	v60 =	vadd.f32 v38, v37;
	v7 =	vadd.f32 v10, v9  }
0x14e: {  	s11 =	sor.u32 s16, s14;
	v50 =	vld [tilespmem:s1+$0x0];
	v0 =	vadd.f32 v1, v0;
	v10 =	vadd.f32 v20, v18  }
0x14f: {  	s12 =	sor.u32 s16, s15;
	v3 =	vld [tilespmem:s11+$0x0];
	v18 =	vadd.f32 v30, v29;
	v20 =	vadd.f32 v32, v31  }
0x150: {  	s22 =	sor.u32 s16, s0;
	v6 =	vld [tilespmem:s12+$0x0];
	v2 =	vadd.f32 v5, v2;
	v5 =	vadd.f32 v11, v8  }
0x151: {  	s17 =	sor.u32 s16, s13;
	v52 =	vld [tilespmem:s22+$0x0];
	v1 =	vadd.f32 v7, v4;
	v7 =	vadd.f32 v17, v16  }
0x152: {  	s25 =	sor.u32 s23, s20;
	v9 =	vld [tilespmem:s17+$0x0];
	v16 =	vadd.f32 v28, v27;
	v57 =	vadd.f32 v20, v18  }
0x153: {  	s18 =	sor.u32 s16, s6;
	v8 =	vld [tilespmem:s25+$0x0];
	v18 =	vadd.f32 v34, v33;
	v20 =	vadd.f32 v36, v35  }
0x154: {  	s21 =	sor.u32 s16, s2;
	v4 =	vld [tilespmem:s18+$0x0];
	v7 =	vadd.f32 v10, v7;
	v10 =	vadd.f32 v24, v23  }
0x155: {  	v3 =	vadd.f32 v6, v3;
	v0 =	vadd.f32 v1, v0;
	v1 =	vld [tilespmem:s21+$0x0]  }
0x156: {  	v56 =	vadd.f32 v16, v53;
	v16 =	vld [tilespmem:s24+$0x100];
	v10 =	vadd.f32 v10, v51  }
0x157: {  	s18 =	simm.s32 $0x10000;
	v2 =	vadd.f32 v2, v60;
	v18 =	vadd.f32 v20, v18;
	v20 =	vld [tilespmem:s24+$0x280]  }
0x158: {  	s26 =	sor.u32 s23, s19;
	v17 =	vld [tilespmem:s18+$0x0];
	v7 =	vadd.f32 v10, v7;
	v10 =	vadd.f32 v57, v56  }
0x159: {  	v5 =	vadd.f32 v3, v5;
	v4 =	vadd.f32 v4, v9;
	v9 =	vld [tilespmem:s26+$0x0]  }
0x15a: {  	v0 =	vadd.f32 v0, v50;
	v7 =	vadd.f32 v10, v7;
	v10 =	vld [tilespmem:s24+$0x300]  }
0x15b: {  	s30 =	sor.u32 s23, s13;
	v2 =	vadd.f32 v2, v18;
	v6 =	vadd.f32 v52, v1  }
0x15c: {  	s28 =	sor.u32 s23, s14;
	v3 =	vld [tilespmem:s30+$0x0];
	v63 =	vadd.f32 v58, v16;
	v13 =	vadd.f32 v20, v59  }
0x15d: {  	s29 =	sor.u32 s23, s15;
	v1 =	vld [tilespmem:s28+$0x0];
	v4 =	vadd.f32 v6, v4;
	v11 =	vadd.f32 v7, v17  }
0x15e: {  	s0 =	sor.u32 s23, s0;
	v6 =	vld [tilespmem:s29+$0x0];
	v7 =	vadd.f32 v55, v54;
	v8 =	vadd.f32 v9, v8  }
0x15f: {  	s31 =	sor.u32 s23, s6;
	v9 =	vld [tilespmem:s0+$0x0];
	v62 =	vadd.f32 v4, v5;
	v10 =	vadd.f32 v61, v10  }
0x160: {  	s2 =	sor.u32 s23, s2;
	s19 =	simm.s32 $0x0;
	s20 =	simm.s32 $0x200;
	[tilespmem:s1+$0x0] =	vst v0;
	v5 =	vld [tilespmem:s31+$0x0];
	v7 =	vadd.f32 v63, v7  }
0x161: {  	s21 =	simm.s32 $0x40;
	s24 =	sor.u32 s16, s3;
	s16 =	sor.u32 s23, s3;
	v4 =	vld [tilespmem:s2+$0x0];
	[tilespmem:s18+$0x0] =	vst v11;
	v2 =	vadd.f32 v62, v2;
	v10 =	vadd.f32 v10, v13  }
.LBB2_7:
0x162: {  	s2 =	sand.u32 $0x40, s21;
	s0 =	sand.u32 $0x3C00, s20  }
0x163: {  	v0 =	vld [tilespmem:s24+$0x0];
	s1 =	sor.u32 $0x8000, s0;
	s30 =	sor.u32 $0x30, s2  }
0x164: {  	v7 =	vadd.f32 v10, v7;
	v10 =	vld [tilespmem:s16+$0x0];
	s28 =	sor.u32 $0xC280, s0;
	s3 =	sor.u32 s30, s1  }
0x165: {  	s13 =	sor.u32 s30, s28;
	v11 =	vld [tilespmem:s3+$0x380]  }
0x166: {  	s29 =	sor.u32 s2, s1;
	v14 =	vld [tilespmem:s13+$0x0]  }
0x167: {  	v17 =	vld [tilespmem:s29+$0x0]  }
0x168: {  	v18 =	vld [tilespmem:s29+$0x80]  }
0x169: {  	v6 =	vadd.f32 v6, v1;
	v4 =	vadd.f32 v9, v4;
	v9 =	vld [tilespmem:s3+$0x100]  }
0x16a: {  	v0 =	vadd.f32 v2, v0;
	v2 =	vld [tilespmem:s3+$0x180]  }
0x16b: {  	v3 =	vadd.f32 v5, v3;
	v5 =	vadd.f32 v6, v8;
	v6 =	vld [tilespmem:s3+$0x0]  }
0x16c: {  	v8 =	vld [tilespmem:s3+$0x80]  }
0x16d: {  	s18 =	sadd.s32 $0x40, s18;
	v3 =	vadd.f32 v4, v3;
	v4 =	vld [tilespmem:s3+$0x200]  }
0x16e: {  	s31 =	sor.u32 $0x10, s2;
	s9 =	sor.u32 $0x20, s2;
	[tilespmem:s24+$0x0] =	vst v0;
	v0 =	vld [tilespmem:s3+$0x280];
	s24 =	sor.u32 $0xC080, s0  }
0x16f: {  	s15 =	sor.u32 $0xC000, s0;
	s26 =	sor.u32 $0xC100, s0;
	v3 =	vadd.f32 v3, v5;
	v5 =	vld [tilespmem:s3+$0x300];
	s6 =	sor.u32 s30, s24  }
0x170: {  	s22 =	sor.u32 $0xC200, s0;
	s5 =	sor.u32 s30, s15;
	s3 =	sor.u32 $0xC180, s0;
	v12 =	vld [tilespmem:s6+$0x0]  }
0x171: {  	s25 =	sor.u32 s31, s1;
	s23 =	sor.u32 s9, s1;
	s10 =	sor.u32 s30, s3;
	v3 =	vadd.f32 v3, v7;
	v7 =	vld [tilespmem:s5+$0x0]  }
0x172: {  	s12 =	sor.u32 s2, s15;
	s17 =	sor.u32 s2, s26;
	s14 =	sor.u32 s31, s22;
	v13 =	vld [tilespmem:s10+$0x0]  }
0x173: {  	s8 =	sor.u32 s30, s26;
	[dreg:$0xb] =	wrdreg s14;
	s14 =	sor.u32 s31, s28;
	v6 =	vadd.f32 v8, v6;
	v8 =	vld [tilespmem:s29+$0x100];
	v3 =	vadd.f32 v3, v10  }
0x174: {  	s11 =	sor.u32 s30, s22;
	[dreg:$0xa] =	wrdreg s14;
	s6 =	sor.u32 s2, s3;
	v10 =	vld [tilespmem:s8+$0x0]  }
0x175: {  	s13 =	sor.u32 s31, s3;
	s3 =	sor.u32 s9, s3;
	v0 =	vadd.f32 v0, v4;
	v4 =	vadd.f32 v11, v5;
	v5 =	vld [tilespmem:s29+$0x180];
	[tilespmem:s16+$0x0] =	vst v3;
	s16 =	sor.u32 $0xC300, s0  }
0x176: {  	s5 =	sor.u32 s2, s22;
	v3 =	vld [tilespmem:s11+$0x0];
	s0 =	sor.u32 $0xC380, s0;
	s8 =	sor.u32 s30, s16  }
0x177: {  	v2 =	vadd.f32 v2, v9;
	[dreg:$0x6] =	wrdreg s3;
	s22 =	sor.u32 s9, s22;
	s10 =	sor.u32 s30, s0;
	v15 =	vld [tilespmem:s8+$0x0]  }
0x178: {  	s1 =	sor.u32 s2, s28;
	s7 =	sor.u32 s2, s24;
	[dreg:$0x4] =	wrdreg s22;
	v16 =	vld [tilespmem:s10+$0x0]  }
0x179: {  	v61 =	vld [tilespmem:s29+$0x280];
	s22 =	sor.u32 s9, s28;
	v2 =	vadd.f32 v2, v6;
	s11 =	sor.u32 s31, s24;
	s24 =	sor.u32 s9, s24  }
0x17a: {  	v1 =	vld [tilespmem:s18+$0x0];
	s4 =	sor.u32 s2, s16;
	s2 =	sor.u32 s2, s0;
	s14 =	sor.u32 s31, s16;
	v7 =	vadd.f32 v12, v7;
	v9 =	vadd.f32 v13, v10  }
0x17b: {  	[dreg:$0x7] =	wrdreg s24;
	s24 =	sand.u32 $0x780, s21;
	s28 =	sor.u32 s9, s0;
	v0 =	vadd.f32 v4, v0;
	v4 =	vld [tilespmem:s29+$0x300];
	v5 =	vadd.f32 v5, v8  }
0x17c: {  	s8 =	sor.u32 s31, s15;
	s15 =	sor.u32 s9, s15;
	s3 =	sor.u32 $0x10000, s24;
	v10 =	vld [tilespmem:s29+$0x200];
	v3 =	vadd.f32 v14, v3;
	v6 =	vadd.f32 v9, v7  }
0x17d: {  	[dreg:$0x9] =	wrdreg s14;
	s14 =	sor.u32 s31, s0;
	s0 =	sor.u32 s30, s3;
	v62 =	vld [tilespmem:s15+$0x0];
	v7 =	vadd.f32 v18, v17;
	v11 =	vadd.f32 v16, v15  }
0x17e: {  	v9 =	vld [tilespmem:s0+$0x0]  }
0x17f: {  	v5 =	vadd.f32 v5, v7;
	v7 =	vld [tilespmem:s6+$0x0];
	v3 =	vadd.f32 v11, v3  }
0x180: {  	v11 =	vld [tilespmem:s29+$0x380]  }
0x181: {  	v0 =	vadd.f32 v0, v2;
	v2 =	vadd.f32 v3, v6;
	v3 =	vld [tilespmem:s12+$0x0]  }
0x182: {  	v6 =	vld [tilespmem:s7+$0x0]  }
0x183: {  	v8 =	vadd.f32 v61, v10;
	v10 =	vld [tilespmem:s1+$0x0]  }
0x184: {  	s10 =	sor.u32 s31, s26;
	v0 =	vadd.f32 v2, v0;
	v2 =	vld [tilespmem:s17+$0x0]  }
0x185: {  	v4 =	vadd.f32 v11, v4;
	v11 =	vld [tilespmem:s10+$0x0]  }
0x186: {  	v0 =	vadd.f32 v0, v9;
	v9 =	vld [tilespmem:s5+$0x0]  }
0x187: {  	v3 =	vadd.f32 v6, v3;
	v4 =	vadd.f32 v4, v8;
	v6 =	vld [tilespmem:s2+$0x0]  }
0x188: {  	[tilespmem:s0+$0x0] =	vst v0;
	v0 =	vld [tilespmem:s4+$0x0]  }
0x189: {  	v2 =	vadd.f32 v7, v2;
	v4 =	vadd.f32 v4, v5;
	v5 =	vld [tilespmem:s25+$0x0]  }
0x18a: {  	v7 =	vld [tilespmem:s25+$0x80]  }
0x18b: {  	v2 =	vadd.f32 v2, v3;
	v3 =	vld [tilespmem:s25+$0x100]  }
0x18c: {  	v8 =	vadd.f32 v10, v9;
	v9 =	vld [tilespmem:s25+$0x180]  }
0x18d: {  	v10 =	vld [tilespmem:s25+$0x280]  }
0x18e: {  	v0 =	vadd.f32 v6, v0;
	v6 =	vld [tilespmem:s25+$0x200]  }
0x18f: {  	v5 =	vadd.f32 v7, v5;
	v7 =	vld [tilespmem:s25+$0x380]  }
0x190: {  	v0 =	vadd.f32 v0, v8;
	v8 =	vld [tilespmem:s25+$0x300]  }
0x191: {  	v3 =	vadd.f32 v9, v3;
	v9 =	vld [tilespmem:s11+$0x0]  }
0x192: {  	s12 =	rddreg [dreg:$0xb];
	v0 =	vadd.f32 v0, v2;
	v2 =	vld [tilespmem:s8+$0x0]  }
0x193: {  	[dreg:$0x8] =	wrdreg s14;
	s14 =	sor.u32 s9, s26;
	v3 =	vadd.f32 v3, v5;
	v5 =	vld [tilespmem:s12+$0x0]  }
0x194: {  	[dreg:$0x5] =	wrdreg s14;
	v0 =	vadd.f32 v0, v4;
	v4 =	vld [tilespmem:s13+$0x0]  }
0x195: {  	s14 =	rddreg [dreg:$0x9];
	v6 =	vadd.f32 v10, v6;
	v10 =	vld [tilespmem:s23+$0x300]  }
0x196: {  	s13 =	rddreg [dreg:$0xa];
	v7 =	vadd.f32 v7, v8;
	v8 =	vld [tilespmem:s14+$0x0];
	v0 =	vadd.f32 v0, v1  }
0x197: {  	s17 =	rddreg [dreg:$0x8];
	v1 =	vld [tilespmem:s13+$0x0]  }
0x198: {  	v6 =	vadd.f32 v7, v6;
	[tilespmem:s18+$0x0] =	vst v0;
	v0 =	vld [tilespmem:s17+$0x0]  }
0x199: {  	v2 =	vadd.f32 v9, v2;
	v7 =	vld [tilespmem:s23+$0x80];
	v4 =	vadd.f32 v4, v11  }
0x19a: {  	v3 =	vadd.f32 v6, v3;
	v6 =	vld [tilespmem:s23+$0x0]  }
0x19b: {  	v2 =	vadd.f32 v4, v2;
	v4 =	vld [tilespmem:s23+$0x100]  }
0x19c: {  	v1 =	vadd.f32 v1, v5;
	v5 =	vld [tilespmem:s23+$0x180]  }
0x19d: {  	v9 =	vld [tilespmem:s23+$0x280];
	v0 =	vadd.f32 v0, v8  }
0x19e: {  	v8 =	vld [tilespmem:s23+$0x200]  }
0x19f: {  	s25 =	rddreg [dreg:$0x7];
	v11 =	vld [tilespmem:s23+$0x380];
	v0 =	vadd.f32 v0, v1  }
0x1a0: {  	s19 =	sadd.s32 $0x4, s19;
	s29 =	rddreg [dreg:$0x5];
	v63 =	vld [tilespmem:s25+$0x0];
	v6 =	vadd.f32 v7, v6  }
0x1a1: {  	p1 =	slt.u32 s19, $0x7C;
	v1 =	vld [tilespmem:s29+$0x0];
	v0 =	vadd.f32 v0, v2;
	v2 =	vadd.f32 v5, v4  }
.Ltmp2:
0x1a2: {  	s26 =	sor.u32 s9, s16;
	v5 =	vld [tilespmem:s22+$0x0];
	(pc) =	sbr.rel @p1 .LBB2_7-.Ltmp2, $4  }
0x1a3: {  	s30 =	rddreg [dreg:$0x6];
	v4 =	vld [tilespmem:s26+$0x0];
	v9 =	vadd.f32 v9, v8;
	v7 =	vadd.f32 v2, v6  }
0x1a4: {  	s24 =	sor.u32 s31, s3;
	s31 =	rddreg [dreg:$0x4];
	v2 =	vadd.f32 v0, v3;
	v6 =	vld [tilespmem:s30+$0x0];
	v0 =	vadd.f32 v11, v10  }
0x1a5: {  	v3 =	vld [tilespmem:s31+$0x0]  }
0x1a6: {  	s20 =	sadd.s32 $0x200, s20;
	s21 =	sadd.s32 $0x40, s21;
	s16 =	sor.u32 s9, s3;
	v8 =	vadd.f32 v63, v62;
	v10 =	vadd.f32 v0, v9;
	v9 =	vld [tilespmem:s28+$0x0]  }
0x1a7: {  	_ =	sdelay $0x2  }
0x1a8: {  	v0 =	vadd.f32 v6, v1  }
0x1a9: {  	v58 =	vadd.f32 v5, v3;
	v59 =	vadd.f32 v9, v4;
	_ =	sdelay $0x1  }
0x1aa: {  	v60 =	vld [tilespmem:s24+$0x0];
	v0 =	vadd.f32 v0, v8;
	v1 =	vadd.f32 v59, v58  }
0x1ab: {  	v61 =	vld [tilespmem:s16+$0x0]  }
0x1ac: {  	v62 =	vadd.f32 v10, v7;
	v0 =	vadd.f32 v1, v0;
	_ =	sdelay $0x1  }
.Ltmp3:
0x1ad: {  	v0 =	vadd.f32 v0, v62;
	(pc) =	sbr.rel @p0 .LBB2_4-.Ltmp3, $4  }
0x1ae: {  	v63 =	vadd.f32 v2, v60  }
0x1af: {  	v0 =	vadd.f32 v0, v61  }
0x1b0: {  	[tilespmem:s24+$0x0] =	vst v63  }
0x1b1: {  	s1 =	simm.s32 $0x20;
	p2 =	por $0x0, $0x0;
	p1 =	por $0x1, $0x1;
	[tilespmem:s16+$0x0] =	vst v0  }
0x1b2: {  	s0 =	rddreg [dreg:$0x11];
	s1 =	simm.s32 $0x80  }
0x1b3: {  	s2 =	simm.s32 $0x400;
	s3 =	simm.s32 $0x10000;
	s30 =	simm.s32 $0x3  }
0x1b4: {  	[hbm4b:s0+s1] =	stream.strided.scatter [tilespmem:s3], [sflag:$0x3], $0x800, s2, s1, $0x38;
	[tilespmem:$0x10800] =	vst v63  }
0x1b5: {  	_ =	swait.ge [sflag:s30], $0x800  }
0x1b6: {  	s7 =	rddreg [dreg:$0xc]  }
0x1b7: {  	s31 =	rddreg [dreg:$0x12];
	s7 =	sadd.s32 $0x1, s7  }
0x1b8: {  	p0 =	sne.s32 s7, s31  }
.Ltmp4:
0x1b9: {  	_ = 	snop;
	(pc) =	sbr.rel @p0 .LBB2_1-.Ltmp4, $3  }
0x1ba: {  	_ =	sdelay $0x1  }
0x1bb: {  	[sflag:s30] =	ssyncset.done $0x0  }
0x1bc: {  	[sflag:s30] =	ssyncadd.s32 $0xFFFFF800  }
0x1bd: {  	_ =	sfence.sel $0x180000  }
0x1be: {  	[bflag:$0x0] =	sbarrier.arrive $0xFFFF  }
0x1bf: {  	_ =	strace $0x90000047  }
0x1c0: {  	s0 =	stileid.u32;
	[bflag:$0x2] =	sbarrier.arrive $0xFFFF  }
0x1c1: {  	p0 =	sne.s32 s0, $0x0;
	s0 =	rddreg [dreg:$0x2]  }
0x1c2: {  	s0 =	sadd.s32 @!p0 $0x100000, s0  }
0x1c3: {  	[sflag:s0] =	ssyncadd.tile.s32 @!p0 $0x1;
	_ =	shalt  }
.Lfunc_end2:
_tile_overlayer_lowered:
.L_overlay_start_2:
0x1c4: {  	(tag) =	ssettag $0x2  }
0x1c5: {  	s0 =	rddreg [dreg:$0x0];
	s2 =	stileid.u32  }
0x1c6: {  	s1 =	rddreg [dreg:$0x1];
	p0 =	sne.s32 s2, $0x0  }
0x1c7: {  	s3 =	rddreg [dreg:$0x2];
	[bflag:$0x3] =	sbarrier.arrive $0xFFFF;
	s2 =	simm.s32 @!p0 $0x1C03  }
0x1c8: {  	[timem:s3], [sflag:s2] =	dma.local @!p0 [hbm:s0], s1  }
0x1c9: {  	s0 =	simm.s32 @!p0 $0x3  }
0x1ca: {  	_ =	swait.ge @!p0 [sflag:s0], s1  }
0x1cb: {  	s1 =	ssub.s32 @!p0 $0x0, s1;
	[sflag:s0] =	ssyncset.done @!p0 $0x0  }
0x1cc: {  	[sflag:s0] =	ssyncadd.s32 @!p0 s1  }
0x1cd: {  	[bflag:$0x3] =	sbarrier.arrive $0xFFFF  }
0x1ce: {  	_ =	shalt  }

</sc_bundles>
